<compile_context>
chip_gen: v7x
topology: tpu7x:2x2x1
jax: 0.10.2.dev20260603
libtpu: 0.0.44.dev20260713+nightly
codegen_flags: <defaults>
</compile_context>

<pallas_src>
import functools

import jax
import jax.numpy as jnp
from jax import lax
from jax.experimental import pallas as pl
from jax.experimental.pallas import tpu as pltpu
from jax.experimental.pallas import tpu_sc as plsc

_NC = 2
_NS = 16
_NW = _NC * _NS

_R = 2 * 96 * 224
_W = 224
_OW = 2 * _W
_RPW = _R // _NW
_K = 32
_NCH = _RPW // _K
_GRPS = _W // 16


def _body(img_hbm, out_hbm, in0, in1, out0, out1,
          sem_in0, sem_in1, sem_out0, sem_out1):
    c = lax.axis_index("c")
    s = lax.axis_index("s")
    wid = s * _NC + c
    row0 = wid * _RPW

    ins = (in0, in1)
    outs = (out0, out1)
    sem_ins = (sem_in0, sem_in1)
    sem_outs = (sem_out0, sem_out1)

    zero = jnp.zeros((16,), jnp.float32)

    for ob in outs:
        @pl.loop(0, 2 * _K)
        def _zero_row(r, ob=ob):
            for k in range(_OW // 16):
                ob[r, pl.ds(k * 16, 16)] = zero

    iota2 = lax.iota(jnp.int32, 16) * 2

    def in_slice(q):
        return img_hbm.at[pl.ds(row0 + q * _K, _K), :]

    def out_slice(q):
        return out_hbm.at[pl.ds(2 * (row0 + q * _K), 2 * _K), :]

    def compute(ib, ob):
        @pl.loop(0, _K)
        def _row(r):
            rvec = jnp.zeros((16,), jnp.int32) + 2 * r
            for j in range(_GRPS):
                x = ib[r, pl.ds(j * 16, 16)]
                plsc.store_scatter(ob, [rvec, iota2 + j * 32], x)

    @pl.loop(0, _NCH)
    def _chunks(q):
        pltpu.sync_copy(in_slice(q), ins[0])
        compute(ins[0], outs[0])
        pltpu.sync_copy(outs[0], out_slice(q))


@functools.cache
def _make_kernel():
    mesh = plsc.VectorSubcoreMesh(
        core_axis_name="c", subcore_axis_name="s",
        num_cores=_NC, num_subcores=_NS)
    return pl.kernel(
        _body,
        out_type=jax.ShapeDtypeStruct((2 * _R, _OW), jnp.float32),
        mesh=mesh,
        scratch_types=[
            pltpu.VMEM((_K, _W), jnp.float32),
            pltpu.VMEM((_K, _W), jnp.float32),
            pltpu.VMEM((2 * _K, _OW), jnp.float32),
            pltpu.VMEM((2 * _K, _OW), jnp.float32),
            pltpu.SemaphoreType.DMA,
            pltpu.SemaphoreType.DMA,
            pltpu.SemaphoreType.DMA,
            pltpu.SemaphoreType.DMA,
        ],
        compiler_params=pltpu.CompilerParams(
            needs_layout_passes=False,
        ),
    )


def kernel(img, scale_factor):
    B, C, H, W = img.shape
    out2 = _make_kernel()(img.reshape(B * C * H, W))
    return out2.reshape(B, C, 2 * H, 2 * W)

# --- scband reference (transcript-rebuilt; emitter-appended) ---
"""Pipeline reference for scband-upsample-zero-19670950215992 (READ-ONLY COPY).

The authoritative reference and input builder live on the scoring server;
editing this copy changes nothing except your own understanding.
"""

import jax, jax.numpy as jnp
import numpy as np


def setup_inputs(seed: int = 0) -> dict:
    key = jax.random.key(seed)
    k_img, _ = jax.random.split(key)
    img = jax.random.normal(k_img, (2, 96, 224, 224), dtype=jnp.float32)
    # integer scale factors for (H, W); must be a length-2 vector
    scale_factor = jnp.array([2, 2], dtype=jnp.int32)
    return {"img": img, "scale_factor": scale_factor}


def reference(img, scale_factor):
    # Faithful translation of UpsampleZero.forward: zero-stuffing upsample.
    # output[:, :, ::sh, ::sw] = img, everything else is zero.
    input_image_size = img.shape[2:]
    if len(input_image_size) != scale_factor.shape[0]:
        raise ValueError('scale_factor should match input size!')
    sh = 2
    sw = 2
    B, C, H, W = img.shape
    fill = jnp.zeros((), dtype=img.dtype) * scale_factor.astype(img.dtype).prod()
    out = jnp.full((B, C, H * sh, W * sw), fill, dtype=img.dtype)
    out = out.at[:, :, ::sh, ::sw].set(img)
    return out

if __name__ == "__main__":
    import jax
    _d = setup_inputs()
    print(jax.jit(kernel)(*tuple(_d.values())))

</pallas_src>

<mosaic_0001>
#map = affine_map<(d0, d1) -> (0, 0)>
module attributes {stable_mosaic.version = 14 : i64} {
  func.func @_body(%arg0: i32, %arg1: i32, %arg2: memref<43008x224xf32, #tpu.memory_space<hbm>>, %arg3: memref<86016x448xf32, #tpu.memory_space<hbm>>, %arg4: memref<32x224xf32, #tpu.memory_space<vmem>>, %arg5: memref<32x224xf32, #tpu.memory_space<vmem>>, %arg6: memref<64x448xf32, #tpu.memory_space<vmem>>, %arg7: memref<64x448xf32, #tpu.memory_space<vmem>>, %arg8: memref<!tpu.dma_semaphore, #tpu.memory_space<semaphore_mem>>, %arg9: memref<!tpu.dma_semaphore, #tpu.memory_space<semaphore_mem>>, %arg10: memref<!tpu.dma_semaphore, #tpu.memory_space<semaphore_mem>>, %arg11: memref<!tpu.dma_semaphore, #tpu.memory_space<semaphore_mem>>) attributes {dimension_semantics = [#tpu.dimension_semantics<core_parallel>, #tpu.dimension_semantics<subcore_parallel>], iteration_bounds = array<i64: 2, 16>, scalar_prefetch = 0 : i64, scratch_operands = 8 : i64, tpu.core_type = #tpu.core_type<sc_vector_subcore>, window_params = [{transform_indices = #map}, {transform_indices = #map}]} {
    %mul3A = arith.constant 2 : i32
    %mul3A_0 = arith.muli %arg1, %mul3A : i32
    %add3A = arith.addi %mul3A_0, %arg0 : i32
    %mul3A_1 = arith.constant 1344 : i32
    %mul3A_2 = arith.muli %add3A, %mul3A_1 : i32
    %broadcast_in_dim3A = arith.constant 0.000000e+00 : f32
    %broadcast_in_dim3A_3 = vector.broadcast %broadcast_in_dim3A : f32 to vector<16xf32>
    %scan3A = arith.constant 0 : i32
    %scan3A_4 = arith.constant 64 : i32
    %scan3A_5 = arith.addi %scan3A, %scan3A_4 : i32
    %scan3A_6 = arith.constant 1 : i32
    scf.for %scan3A_21 = %scan3A to %scan3A_5 step %scan3A_6  : i32 {
      %mul3A_22 = arith.constant 1 : i32
      %mul3A_23 = arith.muli %scan3A_21, %mul3A_22 : i32
      %add3A_24 = arith.constant 0 : i32
      %add3A_25 = arith.addi %add3A_24, %mul3A_23 : i32
      %swap3A = arith.index_cast %add3A_25 : i32 to index
      %swap3A_26 = arith.constant 0 : index
      %swap3A_27 = tpu.vector_load %arg6[%swap3A, %swap3A_26] {strides = array<i32>} : memref<64x448xf32, #tpu.memory_space<vmem>>, vector<16xf32>,
      tpu.vector_store %arg6[%swap3A, %swap3A_26], %broadcast_in_dim3A_3 {strides = array<i32>} : memref<64x448xf32, #tpu.memory_space<vmem>>, vector<16xf32>,
      %swap3A_28 = arith.index_cast %add3A_25 : i32 to index
      %swap3A_29 = arith.constant 16 : index
      %swap3A_30 = tpu.vector_load %arg6[%swap3A_28, %swap3A_29] {strides = array<i32>} : memref<64x448xf32, #tpu.memory_space<vmem>>, vector<16xf32>,
      tpu.vector_store %arg6[%swap3A_28, %swap3A_29], %broadcast_in_dim3A_3 {strides = array<i32>} : memref<64x448xf32, #tpu.memory_space<vmem>>, vector<16xf32>,
      %swap3A_31 = arith.index_cast %add3A_25 : i32 to index
      %swap3A_32 = arith.constant 32 : index
      %swap3A_33 = tpu.vector_load %arg6[%swap3A_31, %swap3A_32] {strides = array<i32>} : memref<64x448xf32, #tpu.memory_space<vmem>>, vector<16xf32>,
      tpu.vector_store %arg6[%swap3A_31, %swap3A_32], %broadcast_in_dim3A_3 {strides = array<i32>} : memref<64x448xf32, #tpu.memory_space<vmem>>, vector<16xf32>,
      %swap3A_34 = arith.index_cast %add3A_25 : i32 to index
      %swap3A_35 = arith.constant 48 : index
      %swap3A_36 = tpu.vector_load %arg6[%swap3A_34, %swap3A_35] {strides = array<i32>} : memref<64x448xf32, #tpu.memory_space<vmem>>, vector<16xf32>,
      tpu.vector_store %arg6[%swap3A_34, %swap3A_35], %broadcast_in_dim3A_3 {strides = array<i32>} : memref<64x448xf32, #tpu.memory_space<vmem>>, vector<16xf32>,
      %swap3A_37 = arith.index_cast %add3A_25 : i32 to index
      %swap3A_38 = arith.constant 64 : index
      %swap3A_39 = tpu.vector_load %arg6[%swap3A_37, %swap3A_38] {strides = array<i32>} : memref<64x448xf32, #tpu.memory_space<vmem>>, vector<16xf32>,
      tpu.vector_store %arg6[%swap3A_37, %swap3A_38], %broadcast_in_dim3A_3 {strides = array<i32>} : memref<64x448xf32, #tpu.memory_space<vmem>>, vector<16xf32>,
      %swap3A_40 = arith.index_cast %add3A_25 : i32 to index
      %swap3A_41 = arith.constant 80 : index
      %swap3A_42 = tpu.vector_load %arg6[%swap3A_40, %swap3A_41] {strides = array<i32>} : memref<64x448xf32, #tpu.memory_space<vmem>>, vector<16xf32>,
      tpu.vector_store %arg6[%swap3A_40, %swap3A_41], %broadcast_in_dim3A_3 {strides = array<i32>} : memref<64x448xf32, #tpu.memory_space<vmem>>, vector<16xf32>,
      %swap3A_43 = arith.index_cast %add3A_25 : i32 to index
      %swap3A_44 = arith.constant 96 : index
      %swap3A_45 = tpu.vector_load %arg6[%swap3A_43, %swap3A_44] {strides = array<i32>} : memref<64x448xf32, #tpu.memory_space<vmem>>, vector<16xf32>,
      tpu.vector_store %arg6[%swap3A_43, %swap3A_44], %broadcast_in_dim3A_3 {strides = array<i32>} : memref<64x448xf32, #tpu.memory_space<vmem>>, vector<16xf32>,
      %swap3A_46 = arith.index_cast %add3A_25 : i32 to index
      %swap3A_47 = arith.constant 112 : index
      %swap3A_48 = tpu.vector_load %arg6[%swap3A_46, %swap3A_47] {strides = array<i32>} : memref<64x448xf32, #tpu.memory_space<vmem>>, vector<16xf32>,
      tpu.vector_store %arg6[%swap3A_46, %swap3A_47], %broadcast_in_dim3A_3 {strides = array<i32>} : memref<64x448xf32, #tpu.memory_space<vmem>>, vector<16xf32>,
      %swap3A_49 = arith.index_cast %add3A_25 : i32 to index
      %swap3A_50 = arith.constant 128 : index
      %swap3A_51 = tpu.vector_load %arg6[%swap3A_49, %swap3A_50] {strides = array<i32>} : memref<64x448xf32, #tpu.memory_space<vmem>>, vector<16xf32>,
      tpu.vector_store %arg6[%swap3A_49, %swap3A_50], %broadcast_in_dim3A_3 {strides = array<i32>} : memref<64x448xf32, #tpu.memory_space<vmem>>, vector<16xf32>,
      %swap3A_52 = arith.index_cast %add3A_25 : i32 to index
      %swap3A_53 = arith.constant 144 : index
      %swap3A_54 = tpu.vector_load %arg6[%swap3A_52, %swap3A_53] {strides = array<i32>} : memref<64x448xf32, #tpu.memory_space<vmem>>, vector<16xf32>,
      tpu.vector_store %arg6[%swap3A_52, %swap3A_53], %broadcast_in_dim3A_3 {strides = array<i32>} : memref<64x448xf32, #tpu.memory_space<vmem>>, vector<16xf32>,
      %swap3A_55 = arith.index_cast %add3A_25 : i32 to index
      %swap3A_56 = arith.constant 160 : index
      %swap3A_57 = tpu.vector_load %arg6[%swap3A_55, %swap3A_56] {strides = array<i32>} : memref<64x448xf32, #tpu.memory_space<vmem>>, vector<16xf32>,
      tpu.vector_store %arg6[%swap3A_55, %swap3A_56], %broadcast_in_dim3A_3 {strides = array<i32>} : memref<64x448xf32, #tpu.memory_space<vmem>>, vector<16xf32>,
      %swap3A_58 = arith.index_cast %add3A_25 : i32 to index
      %swap3A_59 = arith.constant 176 : index
      %swap3A_60 = tpu.vector_load %arg6[%swap3A_58, %swap3A_59] {strides = array<i32>} : memref<64x448xf32, #tpu.memory_space<vmem>>, vector<16xf32>,
      tpu.vector_store %arg6[%swap3A_58, %swap3A_59], %broadcast_in_dim3A_3 {strides = array<i32>} : memref<64x448xf32, #tpu.memory_space<vmem>>, vector<16xf32>,
      %swap3A_61 = arith.index_cast %add3A_25 : i32 to index
      %swap3A_62 = arith.constant 192 : index
      %swap3A_63 = tpu.vector_load %arg6[%swap3A_61, %swap3A_62] {strides = array<i32>} : memref<64x448xf32, #tpu.memory_space<vmem>>, vector<16xf32>,
      tpu.vector_store %arg6[%swap3A_61, %swap3A_62], %broadcast_in_dim3A_3 {strides = array<i32>} : memref<64x448xf32, #tpu.memory_space<vmem>>, vector<16xf32>,
      %swap3A_64 = arith.index_cast %add3A_25 : i32 to index
      %swap3A_65 = arith.constant 208 : index
      %swap3A_66 = tpu.vector_load %arg6[%swap3A_64, %swap3A_65] {strides = array<i32>} : memref<64x448xf32, #tpu.memory_space<vmem>>, vector<16xf32>,
      tpu.vector_store %arg6[%swap3A_64, %swap3A_65], %broadcast_in_dim3A_3 {strides = array<i32>} : memref<64x448xf32, #tpu.memory_space<vmem>>, vector<16xf32>,
      %swap3A_67 = arith.index_cast %add3A_25 : i32 to index
      %swap3A_68 = arith.constant 224 : index
      %swap3A_69 = tpu.vector_load %arg6[%swap3A_67, %swap3A_68] {strides = array<i32>} : memref<64x448xf32, #tpu.memory_space<vmem>>, vector<16xf32>,
      tpu.vector_store %arg6[%swap3A_67, %swap3A_68], %broadcast_in_dim3A_3 {strides = array<i32>} : memref<64x448xf32, #tpu.memory_space<vmem>>, vector<16xf32>,
      %swap3A_70 = arith.index_cast %add3A_25 : i32 to index
      %swap3A_71 = arith.constant 240 : index
      %swap3A_72 = tpu.vector_load %arg6[%swap3A_70, %swap3A_71] {strides = array<i32>} : memref<64x448xf32, #tpu.memory_space<vmem>>, vector<16xf32>,
      tpu.vector_store %arg6[%swap3A_70, %swap3A_71], %broadcast_in_dim3A_3 {strides = array<i32>} : memref<64x448xf32, #tpu.memory_space<vmem>>, vector<16xf32>,
      %swap3A_73 = arith.index_cast %add3A_25 : i32 to index
      %swap3A_74 = arith.constant 256 : index
      %swap3A_75 = tpu.vector_load %arg6[%swap3A_73, %swap3A_74] {strides = array<i32>} : memref<64x448xf32, #tpu.memory_space<vmem>>, vector<16xf32>,
      tpu.vector_store %arg6[%swap3A_73, %swap3A_74], %broadcast_in_dim3A_3 {strides = array<i32>} : memref<64x448xf32, #tpu.memory_space<vmem>>, vector<16xf32>,
      %swap3A_76 = arith.index_cast %add3A_25 : i32 to index
      %swap3A_77 = arith.constant 272 : index
      %swap3A_78 = tpu.vector_load %arg6[%swap3A_76, %swap3A_77] {strides = array<i32>} : memref<64x448xf32, #tpu.memory_space<vmem>>, vector<16xf32>,
      tpu.vector_store %arg6[%swap3A_76, %swap3A_77], %broadcast_in_dim3A_3 {strides = array<i32>} : memref<64x448xf32, #tpu.memory_space<vmem>>, vector<16xf32>,
      %swap3A_79 = arith.index_cast %add3A_25 : i32 to index
      %swap3A_80 = arith.constant 288 : index
      %swap3A_81 = tpu.vector_load %arg6[%swap3A_79, %swap3A_80] {strides = array<i32>} : memref<64x448xf32, #tpu.memory_space<vmem>>, vector<16xf32>,
      tpu.vector_store %arg6[%swap3A_79, %swap3A_80], %broadcast_in_dim3A_3 {strides = array<i32>} : memref<64x448xf32, #tpu.memory_space<vmem>>, vector<16xf32>,
      %swap3A_82 = arith.index_cast %add3A_25 : i32 to index
      %swap3A_83 = arith.constant 304 : index
      %swap3A_84 = tpu.vector_load %arg6[%swap3A_82, %swap3A_83] {strides = array<i32>} : memref<64x448xf32, #tpu.memory_space<vmem>>, vector<16xf32>,
      tpu.vector_store %arg6[%swap3A_82, %swap3A_83], %broadcast_in_dim3A_3 {strides = array<i32>} : memref<64x448xf32, #tpu.memory_space<vmem>>, vector<16xf32>,
      %swap3A_85 = arith.index_cast %add3A_25 : i32 to index
      %swap3A_86 = arith.constant 320 : index
      %swap3A_87 = tpu.vector_load %arg6[%swap3A_85, %swap3A_86] {strides = array<i32>} : memref<64x448xf32, #tpu.memory_space<vmem>>, vector<16xf32>,
      tpu.vector_store %arg6[%swap3A_85, %swap3A_86], %broadcast_in_dim3A_3 {strides = array<i32>} : memref<64x448xf32, #tpu.memory_space<vmem>>, vector<16xf32>,
      %swap3A_88 = arith.index_cast %add3A_25 : i32 to index
      %swap3A_89 = arith.constant 336 : index
      %swap3A_90 = tpu.vector_load %arg6[%swap3A_88, %swap3A_89] {strides = array<i32>} : memref<64x448xf32, #tpu.memory_space<vmem>>, vector<16xf32>,
      tpu.vector_store %arg6[%swap3A_88, %swap3A_89], %broadcast_in_dim3A_3 {strides = array<i32>} : memref<64x448xf32, #tpu.memory_space<vmem>>, vector<16xf32>,
      %swap3A_91 = arith.index_cast %add3A_25 : i32 to index
      %swap3A_92 = arith.constant 352 : index
      %swap3A_93 = tpu.vector_load %arg6[%swap3A_91, %swap3A_92] {strides = array<i32>} : memref<64x448xf32, #tpu.memory_space<vmem>>, vector<16xf32>,
      tpu.vector_store %arg6[%swap3A_91, %swap3A_92], %broadcast_in_dim3A_3 {strides = array<i32>} : memref<64x448xf32, #tpu.memory_space<vmem>>, vector<16xf32>,
      %swap3A_94 = arith.index_cast %add3A_25 : i32 to index
      %swap3A_95 = arith.constant 368 : index
      %swap3A_96 = tpu.vector_load %arg6[%swap3A_94, %swap3A_95] {strides = array<i32>} : memref<64x448xf32, #tpu.memory_space<vmem>>, vector<16xf32>,
      tpu.vector_store %arg6[%swap3A_94, %swap3A_95], %broadcast_in_dim3A_3 {strides = array<i32>} : memref<64x448xf32, #tpu.memory_space<vmem>>, vector<16xf32>,
      %swap3A_97 = arith.index_cast %add3A_25 : i32 to index
      %swap3A_98 = arith.constant 384 : index
      %swap3A_99 = tpu.vector_load %arg6[%swap3A_97, %swap3A_98] {strides = array<i32>} : memref<64x448xf32, #tpu.memory_space<vmem>>, vector<16xf32>,
      tpu.vector_store %arg6[%swap3A_97, %swap3A_98], %broadcast_in_dim3A_3 {strides = array<i32>} : memref<64x448xf32, #tpu.memory_space<vmem>>, vector<16xf32>,
      %swap3A_100 = arith.index_cast %add3A_25 : i32 to index
      %swap3A_101 = arith.constant 400 : index
      %swap3A_102 = tpu.vector_load %arg6[%swap3A_100, %swap3A_101] {strides = array<i32>} : memref<64x448xf32, #tpu.memory_space<vmem>>, vector<16xf32>,
      tpu.vector_store %arg6[%swap3A_100, %swap3A_101], %broadcast_in_dim3A_3 {strides = array<i32>} : memref<64x448xf32, #tpu.memory_space<vmem>>, vector<16xf32>,
      %swap3A_103 = arith.index_cast %add3A_25 : i32 to index
      %swap3A_104 = arith.constant 416 : index
      %swap3A_105 = tpu.vector_load %arg6[%swap3A_103, %swap3A_104] {strides = array<i32>} : memref<64x448xf32, #tpu.memory_space<vmem>>, vector<16xf32>,
      tpu.vector_store %arg6[%swap3A_103, %swap3A_104], %broadcast_in_dim3A_3 {strides = array<i32>} : memref<64x448xf32, #tpu.memory_space<vmem>>, vector<16xf32>,
      %swap3A_106 = arith.index_cast %add3A_25 : i32 to index
      %swap3A_107 = arith.constant 432 : index
      %swap3A_108 = tpu.vector_load %arg6[%swap3A_106, %swap3A_107] {strides = array<i32>} : memref<64x448xf32, #tpu.memory_space<vmem>>, vector<16xf32>,
      tpu.vector_store %arg6[%swap3A_106, %swap3A_107], %broadcast_in_dim3A_3 {strides = array<i32>} : memref<64x448xf32, #tpu.memory_space<vmem>>, vector<16xf32>,
    }
    %scan3A_7 = arith.constant 64 : i32
    %scan3A_8 = arith.constant 0 : i32
    %scan3A_9 = arith.constant 64 : i32
    %scan3A_10 = arith.addi %scan3A_8, %scan3A_9 : i32
    %scan3A_11 = arith.constant 1 : i32
    scf.for %scan3A_21 = %scan3A_8 to %scan3A_10 step %scan3A_11  : i32 {
      %mul3A_22 = arith.constant 1 : i32
      %mul3A_23 = arith.muli %scan3A_21, %mul3A_22 : i32
      %add3A_24 = arith.constant 0 : i32
      %add3A_25 = arith.addi %add3A_24, %mul3A_23 : i32
      %swap3A = arith.index_cast %add3A_25 : i32 to index
      %swap3A_26 = arith.constant 0 : index
      %swap3A_27 = tpu.vector_load %arg7[%swap3A, %swap3A_26] {strides = array<i32>} : memref<64x448xf32, #tpu.memory_space<vmem>>, vector<16xf32>,
      tpu.vector_store %arg7[%swap3A, %swap3A_26], %broadcast_in_dim3A_3 {strides = array<i32>} : memref<64x448xf32, #tpu.memory_space<vmem>>, vector<16xf32>,
      %swap3A_28 = arith.index_cast %add3A_25 : i32 to index
      %swap3A_29 = arith.constant 16 : index
      %swap3A_30 = tpu.vector_load %arg7[%swap3A_28, %swap3A_29] {strides = array<i32>} : memref<64x448xf32, #tpu.memory_space<vmem>>, vector<16xf32>,
      tpu.vector_store %arg7[%swap3A_28, %swap3A_29], %broadcast_in_dim3A_3 {strides = array<i32>} : memref<64x448xf32, #tpu.memory_space<vmem>>, vector<16xf32>,
      %swap3A_31 = arith.index_cast %add3A_25 : i32 to index
      %swap3A_32 = arith.constant 32 : index
      %swap3A_33 = tpu.vector_load %arg7[%swap3A_31, %swap3A_32] {strides = array<i32>} : memref<64x448xf32, #tpu.memory_space<vmem>>, vector<16xf32>,
      tpu.vector_store %arg7[%swap3A_31, %swap3A_32], %broadcast_in_dim3A_3 {strides = array<i32>} : memref<64x448xf32, #tpu.memory_space<vmem>>, vector<16xf32>,
      %swap3A_34 = arith.index_cast %add3A_25 : i32 to index
      %swap3A_35 = arith.constant 48 : index
      %swap3A_36 = tpu.vector_load %arg7[%swap3A_34, %swap3A_35] {strides = array<i32>} : memref<64x448xf32, #tpu.memory_space<vmem>>, vector<16xf32>,
      tpu.vector_store %arg7[%swap3A_34, %swap3A_35], %broadcast_in_dim3A_3 {strides = array<i32>} : memref<64x448xf32, #tpu.memory_space<vmem>>, vector<16xf32>,
      %swap3A_37 = arith.index_cast %add3A_25 : i32 to index
      %swap3A_38 = arith.constant 64 : index
      %swap3A_39 = tpu.vector_load %arg7[%swap3A_37, %swap3A_38] {strides = array<i32>} : memref<64x448xf32, #tpu.memory_space<vmem>>, vector<16xf32>,
      tpu.vector_store %arg7[%swap3A_37, %swap3A_38], %broadcast_in_dim3A_3 {strides = array<i32>} : memref<64x448xf32, #tpu.memory_space<vmem>>, vector<16xf32>,
      %swap3A_40 = arith.index_cast %add3A_25 : i32 to index
      %swap3A_41 = arith.constant 80 : index
      %swap3A_42 = tpu.vector_load %arg7[%swap3A_40, %swap3A_41] {strides = array<i32>} : memref<64x448xf32, #tpu.memory_space<vmem>>, vector<16xf32>,
      tpu.vector_store %arg7[%swap3A_40, %swap3A_41], %broadcast_in_dim3A_3 {strides = array<i32>} : memref<64x448xf32, #tpu.memory_space<vmem>>, vector<16xf32>,
      %swap3A_43 = arith.index_cast %add3A_25 : i32 to index
      %swap3A_44 = arith.constant 96 : index
      %swap3A_45 = tpu.vector_load %arg7[%swap3A_43, %swap3A_44] {strides = array<i32>} : memref<64x448xf32, #tpu.memory_space<vmem>>, vector<16xf32>,
      tpu.vector_store %arg7[%swap3A_43, %swap3A_44], %broadcast_in_dim3A_3 {strides = array<i32>} : memref<64x448xf32, #tpu.memory_space<vmem>>, vector<16xf32>,
      %swap3A_46 = arith.index_cast %add3A_25 : i32 to index
      %swap3A_47 = arith.constant 112 : index
      %swap3A_48 = tpu.vector_load %arg7[%swap3A_46, %swap3A_47] {strides = array<i32>} : memref<64x448xf32, #tpu.memory_space<vmem>>, vector<16xf32>,
      tpu.vector_store %arg7[%swap3A_46, %swap3A_47], %broadcast_in_dim3A_3 {strides = array<i32>} : memref<64x448xf32, #tpu.memory_space<vmem>>, vector<16xf32>,
      %swap3A_49 = arith.index_cast %add3A_25 : i32 to index
      %swap3A_50 = arith.constant 128 : index
      %swap3A_51 = tpu.vector_load %arg7[%swap3A_49, %swap3A_50] {strides = array<i32>} : memref<64x448xf32, #tpu.memory_space<vmem>>, vector<16xf32>,
      tpu.vector_store %arg7[%swap3A_49, %swap3A_50], %broadcast_in_dim3A_3 {strides = array<i32>} : memref<64x448xf32, #tpu.memory_space<vmem>>, vector<16xf32>,
      %swap3A_52 = arith.index_cast %add3A_25 : i32 to index
      %swap3A_53 = arith.constant 144 : index
      %swap3A_54 = tpu.vector_load %arg7[%swap3A_52, %swap3A_53] {strides = array<i32>} : memref<64x448xf32, #tpu.memory_space<vmem>>, vector<16xf32>,
      tpu.vector_store %arg7[%swap3A_52, %swap3A_53], %broadcast_in_dim3A_3 {strides = array<i32>} : memref<64x448xf32, #tpu.memory_space<vmem>>, vector<16xf32>,
      %swap3A_55 = arith.index_cast %add3A_25 : i32 to index
      %swap3A_56 = arith.constant 160 : index
      %swap3A_57 = tpu.vector_load %arg7[%swap3A_55, %swap3A_56] {strides = array<i32>} : memref<64x448xf32, #tpu.memory_space<vmem>>, vector<16xf32>,
      tpu.vector_store %arg7[%swap3A_55, %swap3A_56], %broadcast_in_dim3A_3 {strides = array<i32>} : memref<64x448xf32, #tpu.memory_space<vmem>>, vector<16xf32>,
      %swap3A_58 = arith.index_cast %add3A_25 : i32 to index
      %swap3A_59 = arith.constant 176 : index
      %swap3A_60 = tpu.vector_load %arg7[%swap3A_58, %swap3A_59] {strides = array<i32>} : memref<64x448xf32, #tpu.memory_space<vmem>>, vector<16xf32>,
      tpu.vector_store %arg7[%swap3A_58, %swap3A_59], %broadcast_in_dim3A_3 {strides = array<i32>} : memref<64x448xf32, #tpu.memory_space<vmem>>, vector<16xf32>,
      %swap3A_61 = arith.index_cast %add3A_25 : i32 to index
      %swap3A_62 = arith.constant 192 : index
      %swap3A_63 = tpu.vector_load %arg7[%swap3A_61, %swap3A_62] {strides = array<i32>} : memref<64x448xf32, #tpu.memory_space<vmem>>, vector<16xf32>,
      tpu.vector_store %arg7[%swap3A_61, %swap3A_62], %broadcast_in_dim3A_3 {strides = array<i32>} : memref<64x448xf32, #tpu.memory_space<vmem>>, vector<16xf32>,
      %swap3A_64 = arith.index_cast %add3A_25 : i32 to index
      %swap3A_65 = arith.constant 208 : index
      %swap3A_66 = tpu.vector_load %arg7[%swap3A_64, %swap3A_65] {strides = array<i32>} : memref<64x448xf32, #tpu.memory_space<vmem>>, vector<16xf32>,
      tpu.vector_store %arg7[%swap3A_64, %swap3A_65], %broadcast_in_dim3A_3 {strides = array<i32>} : memref<64x448xf32, #tpu.memory_space<vmem>>, vector<16xf32>,
      %swap3A_67 = arith.index_cast %add3A_25 : i32 to index
      %swap3A_68 = arith.constant 224 : index
      %swap3A_69 = tpu.vector_load %arg7[%swap3A_67, %swap3A_68] {strides = array<i32>} : memref<64x448xf32, #tpu.memory_space<vmem>>, vector<16xf32>,
      tpu.vector_store %arg7[%swap3A_67, %swap3A_68], %broadcast_in_dim3A_3 {strides = array<i32>} : memref<64x448xf32, #tpu.memory_space<vmem>>, vector<16xf32>,
      %swap3A_70 = arith.index_cast %add3A_25 : i32 to index
      %swap3A_71 = arith.constant 240 : index
      %swap3A_72 = tpu.vector_load %arg7[%swap3A_70, %swap3A_71] {strides = array<i32>} : memref<64x448xf32, #tpu.memory_space<vmem>>, vector<16xf32>,
      tpu.vector_store %arg7[%swap3A_70, %swap3A_71], %broadcast_in_dim3A_3 {strides = array<i32>} : memref<64x448xf32, #tpu.memory_space<vmem>>, vector<16xf32>,
      %swap3A_73 = arith.index_cast %add3A_25 : i32 to index
      %swap3A_74 = arith.constant 256 : index
      %swap3A_75 = tpu.vector_load %arg7[%swap3A_73, %swap3A_74] {strides = array<i32>} : memref<64x448xf32, #tpu.memory_space<vmem>>, vector<16xf32>,
      tpu.vector_store %arg7[%swap3A_73, %swap3A_74], %broadcast_in_dim3A_3 {strides = array<i32>} : memref<64x448xf32, #tpu.memory_space<vmem>>, vector<16xf32>,
      %swap3A_76 = arith.index_cast %add3A_25 : i32 to index
      %swap3A_77 = arith.constant 272 : index
      %swap3A_78 = tpu.vector_load %arg7[%swap3A_76, %swap3A_77] {strides = array<i32>} : memref<64x448xf32, #tpu.memory_space<vmem>>, vector<16xf32>,
      tpu.vector_store %arg7[%swap3A_76, %swap3A_77], %broadcast_in_dim3A_3 {strides = array<i32>} : memref<64x448xf32, #tpu.memory_space<vmem>>, vector<16xf32>,
      %swap3A_79 = arith.index_cast %add3A_25 : i32 to index
      %swap3A_80 = arith.constant 288 : index
      %swap3A_81 = tpu.vector_load %arg7[%swap3A_79, %swap3A_80] {strides = array<i32>} : memref<64x448xf32, #tpu.memory_space<vmem>>, vector<16xf32>,
      tpu.vector_store %arg7[%swap3A_79, %swap3A_80], %broadcast_in_dim3A_3 {strides = array<i32>} : memref<64x448xf32, #tpu.memory_space<vmem>>, vector<16xf32>,
      %swap3A_82 = arith.index_cast %add3A_25 : i32 to index
      %swap3A_83 = arith.constant 304 : index
      %swap3A_84 = tpu.vector_load %arg7[%swap3A_82, %swap3A_83] {strides = array<i32>} : memref<64x448xf32, #tpu.memory_space<vmem>>, vector<16xf32>,
      tpu.vector_store %arg7[%swap3A_82, %swap3A_83], %broadcast_in_dim3A_3 {strides = array<i32>} : memref<64x448xf32, #tpu.memory_space<vmem>>, vector<16xf32>,
      %swap3A_85 = arith.index_cast %add3A_25 : i32 to index
      %swap3A_86 = arith.constant 320 : index
      %swap3A_87 = tpu.vector_load %arg7[%swap3A_85, %swap3A_86] {strides = array<i32>} : memref<64x448xf32, #tpu.memory_space<vmem>>, vector<16xf32>,
      tpu.vector_store %arg7[%swap3A_85, %swap3A_86], %broadcast_in_dim3A_3 {strides = array<i32>} : memref<64x448xf32, #tpu.memory_space<vmem>>, vector<16xf32>,
      %swap3A_88 = arith.index_cast %add3A_25 : i32 to index
      %swap3A_89 = arith.constant 336 : index
      %swap3A_90 = tpu.vector_load %arg7[%swap3A_88, %swap3A_89] {strides = array<i32>} : memref<64x448xf32, #tpu.memory_space<vmem>>, vector<16xf32>,
      tpu.vector_store %arg7[%swap3A_88, %swap3A_89], %broadcast_in_dim3A_3 {strides = array<i32>} : memref<64x448xf32, #tpu.memory_space<vmem>>, vector<16xf32>,
      %swap3A_91 = arith.index_cast %add3A_25 : i32 to index
      %swap3A_92 = arith.constant 352 : index
      %swap3A_93 = tpu.vector_load %arg7[%swap3A_91, %swap3A_92] {strides = array<i32>} : memref<64x448xf32, #tpu.memory_space<vmem>>, vector<16xf32>,
      tpu.vector_store %arg7[%swap3A_91, %swap3A_92], %broadcast_in_dim3A_3 {strides = array<i32>} : memref<64x448xf32, #tpu.memory_space<vmem>>, vector<16xf32>,
      %swap3A_94 = arith.index_cast %add3A_25 : i32 to index
      %swap3A_95 = arith.constant 368 : index
      %swap3A_96 = tpu.vector_load %arg7[%swap3A_94, %swap3A_95] {strides = array<i32>} : memref<64x448xf32, #tpu.memory_space<vmem>>, vector<16xf32>,
      tpu.vector_store %arg7[%swap3A_94, %swap3A_95], %broadcast_in_dim3A_3 {strides = array<i32>} : memref<64x448xf32, #tpu.memory_space<vmem>>, vector<16xf32>,
      %swap3A_97 = arith.index_cast %add3A_25 : i32 to index
      %swap3A_98 = arith.constant 384 : index
      %swap3A_99 = tpu.vector_load %arg7[%swap3A_97, %swap3A_98] {strides = array<i32>} : memref<64x448xf32, #tpu.memory_space<vmem>>, vector<16xf32>,
      tpu.vector_store %arg7[%swap3A_97, %swap3A_98], %broadcast_in_dim3A_3 {strides = array<i32>} : memref<64x448xf32, #tpu.memory_space<vmem>>, vector<16xf32>,
      %swap3A_100 = arith.index_cast %add3A_25 : i32 to index
      %swap3A_101 = arith.constant 400 : index
      %swap3A_102 = tpu.vector_load %arg7[%swap3A_100, %swap3A_101] {strides = array<i32>} : memref<64x448xf32, #tpu.memory_space<vmem>>, vector<16xf32>,
      tpu.vector_store %arg7[%swap3A_100, %swap3A_101], %broadcast_in_dim3A_3 {strides = array<i32>} : memref<64x448xf32, #tpu.memory_space<vmem>>, vector<16xf32>,
      %swap3A_103 = arith.index_cast %add3A_25 : i32 to index
      %swap3A_104 = arith.constant 416 : index
      %swap3A_105 = tpu.vector_load %arg7[%swap3A_103, %swap3A_104] {strides = array<i32>} : memref<64x448xf32, #tpu.memory_space<vmem>>, vector<16xf32>,
      tpu.vector_store %arg7[%swap3A_103, %swap3A_104], %broadcast_in_dim3A_3 {strides = array<i32>} : memref<64x448xf32, #tpu.memory_space<vmem>>, vector<16xf32>,
      %swap3A_106 = arith.index_cast %add3A_25 : i32 to index
      %swap3A_107 = arith.constant 432 : index
      %swap3A_108 = tpu.vector_load %arg7[%swap3A_106, %swap3A_107] {strides = array<i32>} : memref<64x448xf32, #tpu.memory_space<vmem>>, vector<16xf32>,
      tpu.vector_store %arg7[%swap3A_106, %swap3A_107], %broadcast_in_dim3A_3 {strides = array<i32>} : memref<64x448xf32, #tpu.memory_space<vmem>>, vector<16xf32>,
    }
    %scan3A_12 = arith.constant 64 : i32
    %iota3A = tpu.iota {dimensions = array<i32: 0>} : vector<16xi32>
    %mul3A_13 = arith.constant 2 : i32
    %mul3A_14 = vector.broadcast %mul3A_13 : i32 to vector<16xi32>
    %mul3A_15 = arith.muli %iota3A, %mul3A_14 : vector<16xi32>
    %scan3A_16 = arith.constant 0 : i32
    %scan3A_17 = arith.constant 42 : i32
    %scan3A_18 = arith.addi %scan3A_16, %scan3A_17 : i32
    %scan3A_19 = arith.constant 1 : i32
    scf.for %scan3A_21 = %scan3A_16 to %scan3A_18 step %scan3A_19  : i32 {
      %mul3A_22 = arith.constant 1 : i32
      %mul3A_23 = arith.muli %scan3A_21, %mul3A_22 : i32
      %add3A_24 = arith.constant 0 : i32
      %add3A_25 = arith.addi %add3A_24, %mul3A_23 : i32
      %mul3A_26 = arith.constant 32 : i32
      %mul3A_27 = arith.muli %add3A_25, %mul3A_26 : i32
      %add3A_28 = arith.addi %mul3A_2, %mul3A_27 : i32
      "tpu.region"() ({
        %run_scoped3A = tpu.sem_alloc : memref<!tpu.dma_semaphore, #tpu.memory_space<semaphore_mem>>
        %dma_start3A = arith.constant 0 : i32
        %dma_start3A_39 = tpu.memref_slice %arg2[%add3A_28, %dma_start3A] : memref<43008x224xf32, #tpu.memory_space<hbm>> -> memref<32x224xf32, #tpu.memory_space<hbm>>
        %dma_start3A_40 = arith.constant 0 : i32
        %dma_start3A_41 = tpu.memref_slice %arg2[%add3A_28, %dma_start3A_40] : memref<43008x224xf32, #tpu.memory_space<hbm>> -> memref<32x224xf32, #tpu.memory_space<hbm>>
        tpu.enqueue_dma source(%dma_start3A_41 : memref<32x224xf32, #tpu.memory_space<hbm>>) target(%arg4 : memref<32x224xf32, #tpu.memory_space<vmem>>) target_semaphore(%run_scoped3A : memref<!tpu.dma_semaphore, #tpu.memory_space<semaphore_mem>>)
        %dma_wait3A = arith.constant 0 : i32
        %dma_wait3A_42 = tpu.memref_slice %arg2[%add3A_28, %dma_wait3A] : memref<43008x224xf32, #tpu.memory_space<hbm>> -> memref<32x224xf32, #tpu.memory_space<hbm>>
        %dma_wait3A_43 = arith.constant 0 : i32
        %dma_wait3A_44 = tpu.memref_slice %arg2[%add3A_28, %dma_wait3A_43] : memref<43008x224xf32, #tpu.memory_space<hbm>> -> memref<32x224xf32, #tpu.memory_space<hbm>>
        tpu.wait_dma2 semaphore(%run_scoped3A : memref<!tpu.dma_semaphore, #tpu.memory_space<semaphore_mem>>) src(%dma_wait3A_44 : memref<32x224xf32, #tpu.memory_space<hbm>>) dst(%arg4 : memref<32x224xf32, #tpu.memory_space<vmem>>)
        tpu.yield
      }) : () -> ()
      %scan3A_29 = arith.constant 0 : i32
      %scan3A_30 = arith.constant 32 : i32
      %scan3A_31 = arith.addi %scan3A_29, %scan3A_30 : i32
      %scan3A_32 = arith.constant 1 : i32
      scf.for %scan3A_39 = %scan3A_29 to %scan3A_31 step %scan3A_32  : i32 {
        %mul3A_40 = arith.constant 1 : i32
        %mul3A_41 = arith.muli %scan3A_39, %mul3A_40 : i32
        %add3A_42 = arith.constant 0 : i32
        %add3A_43 = arith.addi %add3A_42, %mul3A_41 : i32
        %broadcast_in_dim3A_44 = arith.constant 0 : i32
        %broadcast_in_dim3A_45 = vector.broadcast %broadcast_in_dim3A_44 : i32 to vector<16xi32>
        %mul3A_46 = arith.constant 2 : i32
        %mul3A_47 = arith.muli %mul3A_46, %add3A_43 : i32
        %add3A_48 = vector.broadcast %mul3A_47 : i32 to vector<16xi32>
        %add3A_49 = arith.addi %broadcast_in_dim3A_45, %add3A_48 : vector<16xi32>
        %get3A = arith.index_cast %add3A_43 : i32 to index
        %get3A_50 = arith.constant 0 : index
        %get3A_51 = tpu.vector_load %arg4[%get3A, %get3A_50] {strides = array<i32>} : memref<32x224xf32, #tpu.memory_space<vmem>>, vector<16xf32>,
        %add3A_52 = arith.constant 0 : i32
        %add3A_53 = vector.broadcast %add3A_52 : i32 to vector<16xi32>
        %add3A_54 = arith.addi %mul3A_15, %add3A_53 : vector<16xi32>
        tpu.vector_store_idx %arg6[%add3A_49, %add3A_54], %get3A_51 : memref<64x448xf32, #tpu.memory_space<vmem>>[vector<16xi32>, vector<16xi32>], vector<16xf32>,
        %get3A_55 = arith.index_cast %add3A_43 : i32 to index
        %get3A_56 = arith.constant 16 : index
        %get3A_57 = tpu.vector_load %arg4[%get3A_55, %get3A_56] {strides = array<i32>} : memref<32x224xf32, #tpu.memory_space<vmem>>, vector<16xf32>,
        %add3A_58 = arith.constant 32 : i32
        %add3A_59 = vector.broadcast %add3A_58 : i32 to vector<16xi32>
        %add3A_60 = arith.addi %mul3A_15, %add3A_59 : vector<16xi32>
        tpu.vector_store_idx %arg6[%add3A_49, %add3A_60], %get3A_57 : memref<64x448xf32, #tpu.memory_space<vmem>>[vector<16xi32>, vector<16xi32>], vector<16xf32>,
        %get3A_61 = arith.index_cast %add3A_43 : i32 to index
        %get3A_62 = arith.constant 32 : index
        %get3A_63 = tpu.vector_load %arg4[%get3A_61, %get3A_62] {strides = array<i32>} : memref<32x224xf32, #tpu.memory_space<vmem>>, vector<16xf32>,
        %add3A_64 = arith.constant 64 : i32
        %add3A_65 = vector.broadcast %add3A_64 : i32 to vector<16xi32>
        %add3A_66 = arith.addi %mul3A_15, %add3A_65 : vector<16xi32>
        tpu.vector_store_idx %arg6[%add3A_49, %add3A_66], %get3A_63 : memref<64x448xf32, #tpu.memory_space<vmem>>[vector<16xi32>, vector<16xi32>], vector<16xf32>,
        %get3A_67 = arith.index_cast %add3A_43 : i32 to index
        %get3A_68 = arith.constant 48 : index
        %get3A_69 = tpu.vector_load %arg4[%get3A_67, %get3A_68] {strides = array<i32>} : memref<32x224xf32, #tpu.memory_space<vmem>>, vector<16xf32>,
        %add3A_70 = arith.constant 96 : i32
        %add3A_71 = vector.broadcast %add3A_70 : i32 to vector<16xi32>
        %add3A_72 = arith.addi %mul3A_15, %add3A_71 : vector<16xi32>
        tpu.vector_store_idx %arg6[%add3A_49, %add3A_72], %get3A_69 : memref<64x448xf32, #tpu.memory_space<vmem>>[vector<16xi32>, vector<16xi32>], vector<16xf32>,
        %get3A_73 = arith.index_cast %add3A_43 : i32 to index
        %get3A_74 = arith.constant 64 : index
        %get3A_75 = tpu.vector_load %arg4[%get3A_73, %get3A_74] {strides = array<i32>} : memref<32x224xf32, #tpu.memory_space<vmem>>, vector<16xf32>,
        %add3A_76 = arith.constant 128 : i32
        %add3A_77 = vector.broadcast %add3A_76 : i32 to vector<16xi32>
        %add3A_78 = arith.addi %mul3A_15, %add3A_77 : vector<16xi32>
        tpu.vector_store_idx %arg6[%add3A_49, %add3A_78], %get3A_75 : memref<64x448xf32, #tpu.memory_space<vmem>>[vector<16xi32>, vector<16xi32>], vector<16xf32>,
        %get3A_79 = arith.index_cast %add3A_43 : i32 to index
        %get3A_80 = arith.constant 80 : index
        %get3A_81 = tpu.vector_load %arg4[%get3A_79, %get3A_80] {strides = array<i32>} : memref<32x224xf32, #tpu.memory_space<vmem>>, vector<16xf32>,
        %add3A_82 = arith.constant 160 : i32
        %add3A_83 = vector.broadcast %add3A_82 : i32 to vector<16xi32>
        %add3A_84 = arith.addi %mul3A_15, %add3A_83 : vector<16xi32>
        tpu.vector_store_idx %arg6[%add3A_49, %add3A_84], %get3A_81 : memref<64x448xf32, #tpu.memory_space<vmem>>[vector<16xi32>, vector<16xi32>], vector<16xf32>,
        %get3A_85 = arith.index_cast %add3A_43 : i32 to index
        %get3A_86 = arith.constant 96 : index
        %get3A_87 = tpu.vector_load %arg4[%get3A_85, %get3A_86] {strides = array<i32>} : memref<32x224xf32, #tpu.memory_space<vmem>>, vector<16xf32>,
        %add3A_88 = arith.constant 192 : i32
        %add3A_89 = vector.broadcast %add3A_88 : i32 to vector<16xi32>
        %add3A_90 = arith.addi %mul3A_15, %add3A_89 : vector<16xi32>
        tpu.vector_store_idx %arg6[%add3A_49, %add3A_90], %get3A_87 : memref<64x448xf32, #tpu.memory_space<vmem>>[vector<16xi32>, vector<16xi32>], vector<16xf32>,
        %get3A_91 = arith.index_cast %add3A_43 : i32 to index
        %get3A_92 = arith.constant 112 : index
        %get3A_93 = tpu.vector_load %arg4[%get3A_91, %get3A_92] {strides = array<i32>} : memref<32x224xf32, #tpu.memory_space<vmem>>, vector<16xf32>,
        %add3A_94 = arith.constant 224 : i32
        %add3A_95 = vector.broadcast %add3A_94 : i32 to vector<16xi32>
        %add3A_96 = arith.addi %mul3A_15, %add3A_95 : vector<16xi32>
        tpu.vector_store_idx %arg6[%add3A_49, %add3A_96], %get3A_93 : memref<64x448xf32, #tpu.memory_space<vmem>>[vector<16xi32>, vector<16xi32>], vector<16xf32>,
        %get3A_97 = arith.index_cast %add3A_43 : i32 to index
        %get3A_98 = arith.constant 128 : index
        %get3A_99 = tpu.vector_load %arg4[%get3A_97, %get3A_98] {strides = array<i32>} : memref<32x224xf32, #tpu.memory_space<vmem>>, vector<16xf32>,
        %add3A_100 = arith.constant 256 : i32
        %add3A_101 = vector.broadcast %add3A_100 : i32 to vector<16xi32>
        %add3A_102 = arith.addi %mul3A_15, %add3A_101 : vector<16xi32>
        tpu.vector_store_idx %arg6[%add3A_49, %add3A_102], %get3A_99 : memref<64x448xf32, #tpu.memory_space<vmem>>[vector<16xi32>, vector<16xi32>], vector<16xf32>,
        %get3A_103 = arith.index_cast %add3A_43 : i32 to index
        %get3A_104 = arith.constant 144 : index
        %get3A_105 = tpu.vector_load %arg4[%get3A_103, %get3A_104] {strides = array<i32>} : memref<32x224xf32, #tpu.memory_space<vmem>>, vector<16xf32>,
        %add3A_106 = arith.constant 288 : i32
        %add3A_107 = vector.broadcast %add3A_106 : i32 to vector<16xi32>
        %add3A_108 = arith.addi %mul3A_15, %add3A_107 : vector<16xi32>
        tpu.vector_store_idx %arg6[%add3A_49, %add3A_108], %get3A_105 : memref<64x448xf32, #tpu.memory_space<vmem>>[vector<16xi32>, vector<16xi32>], vector<16xf32>,
        %get3A_109 = arith.index_cast %add3A_43 : i32 to index
        %get3A_110 = arith.constant 160 : index
        %get3A_111 = tpu.vector_load %arg4[%get3A_109, %get3A_110] {strides = array<i32>} : memref<32x224xf32, #tpu.memory_space<vmem>>, vector<16xf32>,
        %add3A_112 = arith.constant 320 : i32
        %add3A_113 = vector.broadcast %add3A_112 : i32 to vector<16xi32>
        %add3A_114 = arith.addi %mul3A_15, %add3A_113 : vector<16xi32>
        tpu.vector_store_idx %arg6[%add3A_49, %add3A_114], %get3A_111 : memref<64x448xf32, #tpu.memory_space<vmem>>[vector<16xi32>, vector<16xi32>], vector<16xf32>,
        %get3A_115 = arith.index_cast %add3A_43 : i32 to index
        %get3A_116 = arith.constant 176 : index
        %get3A_117 = tpu.vector_load %arg4[%get3A_115, %get3A_116] {strides = array<i32>} : memref<32x224xf32, #tpu.memory_space<vmem>>, vector<16xf32>,
        %add3A_118 = arith.constant 352 : i32
        %add3A_119 = vector.broadcast %add3A_118 : i32 to vector<16xi32>
        %add3A_120 = arith.addi %mul3A_15, %add3A_119 : vector<16xi32>
        tpu.vector_store_idx %arg6[%add3A_49, %add3A_120], %get3A_117 : memref<64x448xf32, #tpu.memory_space<vmem>>[vector<16xi32>, vector<16xi32>], vector<16xf32>,
        %get3A_121 = arith.index_cast %add3A_43 : i32 to index
        %get3A_122 = arith.constant 192 : index
        %get3A_123 = tpu.vector_load %arg4[%get3A_121, %get3A_122] {strides = array<i32>} : memref<32x224xf32, #tpu.memory_space<vmem>>, vector<16xf32>,
        %add3A_124 = arith.constant 384 : i32
        %add3A_125 = vector.broadcast %add3A_124 : i32 to vector<16xi32>
        %add3A_126 = arith.addi %mul3A_15, %add3A_125 : vector<16xi32>
        tpu.vector_store_idx %arg6[%add3A_49, %add3A_126], %get3A_123 : memref<64x448xf32, #tpu.memory_space<vmem>>[vector<16xi32>, vector<16xi32>], vector<16xf32>,
        %get3A_127 = arith.index_cast %add3A_43 : i32 to index
        %get3A_128 = arith.constant 208 : index
        %get3A_129 = tpu.vector_load %arg4[%get3A_127, %get3A_128] {strides = array<i32>} : memref<32x224xf32, #tpu.memory_space<vmem>>, vector<16xf32>,
        %add3A_130 = arith.constant 416 : i32
        %add3A_131 = vector.broadcast %add3A_130 : i32 to vector<16xi32>
        %add3A_132 = arith.addi %mul3A_15, %add3A_131 : vector<16xi32>
        tpu.vector_store_idx %arg6[%add3A_49, %add3A_132], %get3A_129 : memref<64x448xf32, #tpu.memory_space<vmem>>[vector<16xi32>, vector<16xi32>], vector<16xf32>,
      }
      %scan3A_33 = arith.constant 32 : i32
      %mul3A_34 = arith.constant 32 : i32
      %mul3A_35 = arith.muli %add3A_25, %mul3A_34 : i32
      %add3A_36 = arith.addi %mul3A_2, %mul3A_35 : i32
      %mul3A_37 = arith.constant 2 : i32
      %mul3A_38 = arith.muli %mul3A_37, %add3A_36 : i32
      "tpu.region"() ({
        %run_scoped3A = tpu.sem_alloc : memref<!tpu.dma_semaphore, #tpu.memory_space<semaphore_mem>>
        %dma_start3A = arith.constant 0 : i32
        %dma_start3A_39 = tpu.memref_slice %arg3[%mul3A_38, %dma_start3A] : memref<86016x448xf32, #tpu.memory_space<hbm>> -> memref<64x448xf32, #tpu.memory_space<hbm>>
        %dma_start3A_40 = arith.constant 0 : i32
        %dma_start3A_41 = tpu.memref_slice %arg3[%mul3A_38, %dma_start3A_40] : memref<86016x448xf32, #tpu.memory_space<hbm>> -> memref<64x448xf32, #tpu.memory_space<hbm>>
        tpu.enqueue_dma source(%arg6 : memref<64x448xf32, #tpu.memory_space<vmem>>) target(%dma_start3A_41 : memref<64x448xf32, #tpu.memory_space<hbm>>) target_semaphore(%run_scoped3A : memref<!tpu.dma_semaphore, #tpu.memory_space<semaphore_mem>>)
        %dma_wait3A = arith.constant 0 : i32
        %dma_wait3A_42 = tpu.memref_slice %arg3[%mul3A_38, %dma_wait3A] : memref<86016x448xf32, #tpu.memory_space<hbm>> -> memref<64x448xf32, #tpu.memory_space<hbm>>
        %dma_wait3A_43 = arith.constant 0 : i32
        %dma_wait3A_44 = tpu.memref_slice %arg3[%mul3A_38, %dma_wait3A_43] : memref<86016x448xf32, #tpu.memory_space<hbm>> -> memref<64x448xf32, #tpu.memory_space<hbm>>
        tpu.wait_dma2 semaphore(%run_scoped3A : memref<!tpu.dma_semaphore, #tpu.memory_space<semaphore_mem>>) src(%arg6 : memref<64x448xf32, #tpu.memory_space<vmem>>) dst(%dma_wait3A_44 : memref<64x448xf32, #tpu.memory_space<hbm>>)
        tpu.yield
      }) : () -> ()
    }
    %scan3A_20 = arith.constant 42 : i32
    return
  }
}

</mosaic_0001>

<sc_bundles>
// kernel: kernel.3.cloned.1.call-start
scs
__scs_entry_jumppad:
0x0: {  	(pc) =	sbr.rel $0x88, $3  }
0x1: {  	(tag) =	ssettag $0x0;
	lr =	simm.s32 $0x1  }
0x2: {  	[smem:$0x3FA0] =	sst lr;
	_ =	strace $0xD0000000  }
0x3: {  	_ = 	snop  }
0x4: {  	_ = 	snop  }
0x5: {  	_ = 	snop  }
0x6: {  	_ = 	snop  }
0x7: {  	_ = 	snop  }
__scs_overlays_trampoline_lowered:
0x8: {  	[smem:$0x3FAF] =	sst s0  }
0x9: {  	[smem:$0x3FB0] =	sst s1  }
0xa: {  	[smem:$0x3FB1] =	sst s2  }
0xb: {  	[smem:$0x3FB2] =	sst s3  }
0xc: {  	[smem:$0x3FB3] =	sst s4  }
0xd: {  	[smem:$0x3FB4] =	sst s5  }
0xe: {  	[smem:$0x3FB5] =	sst s6  }
0xf: {  	[smem:$0x3FB6] =	sst s7  }
0x10: {  	[smem:$0x3FB7] =	sst s8  }
0x11: {  	[smem:$0x3FB8] =	sst s9;
	s0 =	simm.s32 @!p0 $0x0  }
0x12: {  	s1 =	sld [smem:$0x3F9E];
	s0 =	simm.s32 @p0 $0x1  }
0x13: {  	[smem:$0x3FB9] =	sst s0;
	s0 =	simm.s32 @!p1 $0x0  }
0x14: {  	s2 =	sld [smem:$0x3F9D];
	s0 =	simm.s32 @p1 $0x1  }
0x15: {  	[smem:$0x3FBA] =	sst s0;
	s0 =	simm.s32 @!p2 $0x0  }
0x16: {  	s3 =	sld [smem:$0x3FDB];
	s0 =	simm.s32 @p2 $0x1  }
0x17: {  	s4 =	simm.s32 $0x1BF5;
	[smem:$0x3FBC] =	sst s0  }
0x18: {  	s0 =	sld [smem:$0x3F9F];
	_ =	swait.ge [sflag:s4], $0x0  }
0x19: {  	s7 =	sld [smem:$0x3FA0]  }
0x1a: {  	s8 =	sadd.s32 $0xFFFFE003, lr  }
0x1b: {  	s9 =	sadd.s32 $0xFFFFFEF7, lr;
	s5 =	simm.s32 $0xFFFFFFFF;
	p2 =	slt.u32 s8, $0xFFFFF086  }
0x1c: {  	p1 =	slt.u32 s9, $0xF7A;
	s5 =	simm.s32 @!p2 $0x0  }
0x1d: {  	s5 =	simm.s32 @p1 $0x1;
	p0 =	seq.s32 s7, s2  }
0x1e: {  	s7 =	smul.u32 @!p0 $0xF7A, s2;
	p2 =	seq.s32 @!p0 s5, $0x0  }
0x1f: {  	s9 =	smul.u32 $0xF7A, s1;
	s8 =	simm.s32 @!p0 $0x1BF5;
	p2 =	por !p2, p0  }
0x20: {  	[sflag:s8] =	ssyncset.s32 @!p0 $0xFFFFF086;
	s6 =	sadd.s32 @!p0 s3, s7;
	s7 =	simm.s32 @!p0 $0x108  }
0x21: {  	s3 =	sadd.s32 s3, s9;
	s6 =	sadd.s32 @!p0 $0x88, s6;
	s7 =	simm.s32 @p2 $0x1082  }
0x22: {  	[simem:s7], [sflag:s8] =	dma.local @!p0 [hbm:s6], $0xF7A  }
0x23: {  	s9 =	sor.u32 $0xD0000000, s2;
	s6 =	simm.s32 $0x108;
	_ =	swait.ge @!p0 [sflag:s8], $0x0  }
0x24: {  	s3 =	sadd.s32 $0x88, s3;
	s6 =	simm.s32 @!p1 $0x1082;
	[sflag:s4] =	ssyncset.s32 $0xFFFFF086  }
0x25: {  	[simem:s6], [sflag:s4] =	dma.local [hbm:s3], $0xF7A  }
0x26: {  	[smem:$0x3FA0] =	sst s1;
	(tag) =	ssettag s2;
	_ =	strace s9  }
0x27: {  	s1 =	sld [smem:$0x3FB0]  }
0x28: {  	s2 =	sld [smem:$0x3FB1]  }
0x29: {  	s4 =	sld [smem:$0x3FB3]  }
0x2a: {  	p0 =	seq.s32 s5, $0x0;
	s5 =	sld [smem:$0x3FB4]  }
0x2b: {  	s6 =	sld [smem:$0x3FB5]  }
0x2c: {  	s7 =	sld [smem:$0x3FB6]  }
0x2d: {  	s3 =	simm.s32 $0x108;
	s8 =	sld [smem:$0x3FB7]  }
0x2e: {  	s3 =	simm.s32 @!p0 $0x1082;
	s9 =	sld [smem:$0x3FB8]  }
0x2f: {  	lr =	sadd.s32 s0, s3;
	s0 =	sld [smem:$0x3FAF]  }
0x30: {  	s3 =	sld [smem:$0x3FB2]  }
0x31: {  	[smem:$0x3FBB] =	sst s10  }
0x32: {  	s10 =	sld [smem:$0x3FB9];
	_ =	sdelay $0x3  }
0x33: {  	p0 =	seq.s32 s10, $0x1;
	s10 =	sld [smem:$0x3FBB];
	_ =	sdelay $0x3  }
0x34: {  	[smem:$0x3FBB] =	sst s10  }
0x35: {  	s10 =	sld [smem:$0x3FBA];
	_ =	sdelay $0x3  }
0x36: {  	p1 =	seq.s32 s10, $0x1;
	s10 =	sld [smem:$0x3FBB];
	_ =	sdelay $0x3  }
0x37: {  	[smem:$0x3FBB] =	sst s10  }
0x38: {  	s10 =	sld [smem:$0x3FBC]  }
0x39: {  	_ = 	snop;
	(pc) =	sbr.ind lr, $3  }
0x3a: {  	_ = 	snop  }
0x3b: {  	_ = 	snop  }
0x3c: {  	p2 =	seq.s32 s10, $0x1;
	s10 =	sld [smem:$0x3FBB]  }
0x3d: {  	_ =	shalt  }
0x3e: {  	_ =	shalt  }
0x3f: {  	_ =	shalt  }
0x40: {  	_ =	shalt  }
0x41: {  	_ =	shalt  }
0x42: {  	_ =	shalt  }
0x43: {  	_ =	shalt  }
0x44: {  	_ =	shalt  }
0x45: {  	_ =	shalt  }
0x46: {  	_ =	shalt  }
0x47: {  	_ =	shalt  }
0x48: {  	_ =	shalt  }
0x49: {  	_ =	shalt  }
0x4a: {  	_ =	shalt  }
0x4b: {  	_ =	shalt  }
0x4c: {  	_ =	shalt  }
0x4d: {  	_ =	shalt  }
0x4e: {  	_ =	shalt  }
0x4f: {  	_ =	shalt  }
0x50: {  	_ =	shalt  }
0x51: {  	_ =	shalt  }
0x52: {  	_ =	shalt  }
0x53: {  	_ =	shalt  }
0x54: {  	_ =	shalt  }
0x55: {  	_ =	shalt  }
0x56: {  	_ =	shalt  }
0x57: {  	_ =	shalt  }
0x58: {  	_ =	shalt  }
0x59: {  	_ =	shalt  }
0x5a: {  	_ =	shalt  }
0x5b: {  	_ =	shalt  }
0x5c: {  	_ =	shalt  }
0x5d: {  	_ =	shalt  }
0x5e: {  	_ =	shalt  }
0x5f: {  	_ =	shalt  }
0x60: {  	_ =	shalt  }
0x61: {  	_ =	shalt  }
0x62: {  	_ =	shalt  }
0x63: {  	_ =	shalt  }
0x64: {  	_ =	shalt  }
0x65: {  	_ =	shalt  }
0x66: {  	_ =	shalt  }
0x67: {  	_ =	shalt  }
0x68: {  	_ =	shalt  }
0x69: {  	_ =	shalt  }
0x6a: {  	_ =	shalt  }
0x6b: {  	_ =	shalt  }
0x6c: {  	_ =	shalt  }
0x6d: {  	_ =	shalt  }
0x6e: {  	_ =	shalt  }
0x6f: {  	_ =	shalt  }
0x70: {  	_ =	shalt  }
0x71: {  	_ =	shalt  }
0x72: {  	_ =	shalt  }
0x73: {  	_ =	shalt  }
0x74: {  	_ =	shalt  }
0x75: {  	_ =	shalt  }
0x76: {  	_ =	shalt  }
0x77: {  	_ =	shalt  }
0x78: {  	_ =	shalt  }
0x79: {  	_ =	shalt  }
0x7a: {  	_ =	shalt  }
0x7b: {  	_ =	shalt  }
0x7c: {  	_ =	shalt  }
0x7d: {  	_ =	shalt  }
0x7e: {  	_ =	shalt  }
0x7f: {  	_ =	shalt  }
0x80: {  	_ =	shalt  }
0x81: {  	_ =	shalt  }
0x82: {  	_ =	shalt  }
0x83: {  	_ =	shalt  }
0x84: {  	_ =	shalt  }
0x85: {  	_ =	shalt  }
0x86: {  	_ =	shalt  }
0x87: {  	_ =	shalt  }
.Lfunc_end0:
.L_simem_size_0:
called_computation_lowered:
.L_overlay_start_0:
0x88: {  	s2 =	sld [smem:$0x3FD9]  }
0x89: {  	s3 =	sld [smem:$0x3FFE];
	_ =	sdelay $0x1  }
0x8a: {  	s1 =	srdreg.scid  }
0x8b: {  	s0 =	sand.u32 $0x1, s1  }
0x8c: {  	s18 =	sshll.u32 s0, $0xA;
	s2 =	sadd.s32 s3, s2  }
0x8d: {  	s2 =	sadd.s32 s2, s18  }
0x8e: {  	[smem:$0x3FC7] =	sst s2  }
0x8f: {  	_ = 	snop  }
0x90: {  	s2 =	sld [smem:$0x3FC9]  }
0x91: {  	s19 =	sld [smem:$0x3FD0];
	(tm) =	ssettm $0x1  }
0x92: {  	s4 =	sld [smem:$0x3FFB];
	_ =	sdelay $0x3  }
0x93: {  	_ =	strace s4  }
0x94: {  	s4 =	sld [smem:$0x3FFC];
	_ =	sdelay $0x3  }
0x95: {  	_ =	strace s4  }
0x96: {  	s4 =	sld [smem:$0x3FFD];
	_ =	sdelay $0x3  }
0x97: {  	_ =	strace s4  }
0x98: {  	_ =	strace $0x8FFFFFFF  }
0x99: {  	s20 =	sld [smem:$0x3FDB];
	_ =	sdelay $0x1  }
0x9a: {  	s5 =	simm.s32 $_scs_section_size  }
0x9b: {  	s6 =	simm.s32 $_size__tile_overlayer_lowered;
	s7 =	simm.s32 $_tile_overlayer_lowered  }
0x9c: {  	s23 =	simm.s32 $0x1BFF;
	s22 =	sshll.u32 s7, $0x1;
	s4 =	sadd.s32 s5, s20  }
0x9d: {  	s8 =	simm.s32 $0x0;
	s21 =	sshll.u32 s6, $0x1;
	s6 =	sadd.s32 s22, s4  }
0x9e: {  	[timem:s8], [sflag:s23] =	dma.local [hbm:s6], s21  }
0x9f: {  	_ =	swait.ge [sflag:s23], s21  }
0xa0: {  	s5 =	ssub.s32 $0x0, s21;
	[sflag:s23] =	ssyncset.done $0x0  }
0xa1: {  	[sflag:s23] =	ssyncadd.s32 s5;
	_ =	sdelay $0x1  }
0xa2: {  	s24 =	simm.s32 $0x1B8B  }
0xa3: {  	_ =	swait.ge [sflag:s24], $0x1  }
0xa4: {  	[sflag:s24] =	ssyncset.done $0x0  }
0xa5: {  	s25 =	simm.s32 $0x1B8E;
	[sflag:s24] =	ssyncadd.s32 $0xFFFFFFFF  }
0xa6: {  	s26 =	simm.s32 $execute0_lowered;
	[smem:$0x3FD2] =	sst s25  }
0xa7: {  	s5 =	sshll.u32 s26, $0x1;
	_ =	strace $0x80000046;
	[dreg:$0x1] =	wrdreg $0xFFFFFFFF  }
0xa8: {  	s28 =	simm.s32 $_size_execute0_lowered;
	s4 =	sadd.s32 s4, s5;
	[dreg:$0x0] =	wrdreg $0x0  }
0xa9: {  	s5 =	sshll.u32 s28, $0x1;
	[dreg:$0x2] =	wrdreg s4  }
0xaa: {  	[dreg:$0x3] =	wrdreg s5  }
0xab: {  	[dreg:$0x4] =	wrdreg $0xC0  }
0xac: {  	_ =	task [dreg:s8], $0x5FFFF  }
0xad: {  	[dreg:$0x1] =	wrdreg $0xFFFFFFFF  }
0xae: {  	[dreg:$0x0] =	wrdreg $0x60  }
0xaf: {  	[dreg:$0x2] =	wrdreg s2  }
0xb0: {  	[dreg:$0x3] =	wrdreg s19  }
0xb1: {  	[dreg:$0x4] =	wrdreg $0x9  }
0xb2: {  	_ =	task.clear_ibuf [dreg:s8], $0x5FFFF;
	_ =	strace $0x90000046  }
0xb3: {  	s29 =	simm.s32 $0x9;
	_ =	strace $0x80000048  }
0xb4: {  	_ =	swait.ge [sflag:s29], $0x1  }
0xb5: {  	[sflag:s29] =	ssyncadd.s32 $0xFFFFFFFF  }
0xb6: {  	_ =	strace $0x90000048  }
0xb7: {  	_ =	sfence  }
0xb8: {  	s30 =	sld [smem:$0x0];
	_ =	sdelay $0x2  }
0xb9: {  	s31 =	sshll.u32 s1, $0xD;
	s1 =	sshrl.u32 s1, $0x2  }
0xba: {  	s3 =	sand.u32 $0x4000, s31;
	s1 =	sadd.s32 s1, s30  }
0xbb: {  	s0 =	sor.u32 s3, s0;
	s1 =	sshll.u32 s1, $0x11  }
0xbc: {  	s0 =	sor.u32 s1, s0  }
0xbd: {  	s0 =	sadd.s32 $0x8F2B, s0  }
0xbe: {  	[sflag:s0] =	ssyncadd.remote.s32 $0x1  }
0xbf: {  	_ =	sfence.sel $0xFFFF  }
0xc0: {  	[dreg:$0x0] =	wrdreg $0xFFFFFFFF;
	(pc) =	sbr.abs _section_cstart, $3  }
0xc1: {  	[dreg:$0x1] =	wrdreg $0xFFFFFFFF  }
0xc2: {  	_ =	task.clear_ibuf [dreg:s8], $0x2FFFF;
	_ =	strace $0x9FFFFFFF  }
0xc3: {  	(tm) =	ssettm $0x7FFFFFFF  }
tec
execute0_lowered:
.L_overlay_start_1:
0x0: {  	(tag) =	ssettag $0x1  }
0x1: {  	v0 =	vlaneseq.u32  }
0x2: {  	s1 =	rddreg [dreg:$0x0];
	s0 =	srdreg.scid;
	v0 =	vmul.u32 $0x2, v0  }
0x3: {  	s3 =	rddreg [dreg:$0x1];
	s2 =	stileid.u32  }
0x4: {  	v1 =	vimm.f32 $0.0e+00;
	s4 =	simm.s32 $0x0;
	s9 =	simm.s32 $0x0;
	s5 =	sand.u32 $0x1, s0;
	v2 =	vor.u32 $0x20, v0  }
0x5: {  	s0 =	rddreg [dreg:$0x2];
	s8 =	sshll.u32 s2, $0x1;
	s6 =	ssub.s32 $0x2, s5;
	v3 =	vor.u32 $0x40, v0;
	v4 =	vor.u32 $0x60, v0;
	v5 =	vor.u32 $0x400, v0  }
0x6: {  	[smem:$0x7FF] =	sst s4;
	s5 =	sor.u32 s5, s8;
	s7 =	sshrl.u32 s6, $0x1;
	v6 =	vor.u32 $0x420, v0;
	v7 =	vor.u32 $0x440, v0;
	v8 =	vor.u32 $0x460, v0  }
0x7: {  	_ =	strace $0x80000047;
	s8 =	simm.s32 $0x2000;
	v9 =	vor.u32 $0x800, v0;
	v10 =	vor.u32 $0x820, v0;
	v11 =	vor.u32 $0x840, v0;
	s6 =	ssub.s32 s6, s7  }
0x8: {  	s5 =	smul.u32 $0x540, s5;
	v12 =	vor.u32 $0x860, v0;
	v13 =	vor.u32 $0xC00, v0;
	v14 =	vor.u32 $0xC20, v0;
	s7 =	simm.s32 $0x1;
	s6 =	smax.u32 s6, $0x1  }
.LBB2_1:
0x9: {  	s10 =	sand.u32 $0x7000, s4;
	s11 =	sand.u32 $0x380, s4  }
0xa: {  	s10 =	sor.u32 s11, s10  }
0xb: {  	[tilespmem:s10+$0x2C30] =	vst v1  }
0xc: {  	[tilespmem:s10+$0x2000] =	vst v1  }
0xd: {  	[tilespmem:s10+$0x2010] =	vst v1  }
0xe: {  	[tilespmem:s10+$0x2020] =	vst v1  }
0xf: {  	[tilespmem:s10+$0x2030] =	vst v1  }
0x10: {  	[tilespmem:s10+$0x2040] =	vst v1  }
0x11: {  	[tilespmem:s10+$0x2050] =	vst v1  }
0x12: {  	[tilespmem:s10+$0x2060] =	vst v1  }
0x13: {  	[tilespmem:s10+$0x2070] =	vst v1  }
0x14: {  	[tilespmem:s10+$0x2400] =	vst v1  }
0x15: {  	[tilespmem:s10+$0x2410] =	vst v1  }
0x16: {  	[tilespmem:s10+$0x2420] =	vst v1  }
0x17: {  	[tilespmem:s10+$0x2430] =	vst v1  }
0x18: {  	[tilespmem:s10+$0x2440] =	vst v1  }
0x19: {  	[tilespmem:s10+$0x2450] =	vst v1  }
0x1a: {  	[tilespmem:s10+$0x2460] =	vst v1  }
0x1b: {  	[tilespmem:s10+$0x2470] =	vst v1  }
0x1c: {  	[tilespmem:s10+$0x2800] =	vst v1  }
0x1d: {  	[tilespmem:s10+$0x2810] =	vst v1  }
0x1e: {  	[tilespmem:s10+$0x2820] =	vst v1  }
0x1f: {  	[tilespmem:s10+$0x2830] =	vst v1  }
0x20: {  	[tilespmem:s10+$0x2840] =	vst v1  }
0x21: {  	[tilespmem:s10+$0x2850] =	vst v1  }
0x22: {  	[tilespmem:s10+$0x2860] =	vst v1  }
0x23: {  	[tilespmem:s10+$0x2870] =	vst v1  }
0x24: {  	s12 =	simm.s32 $0x200;
	s11 =	simm.s32 $0x80;
	[tilespmem:s10+$0x2C00] =	vst v1  }
0x25: {  	s13 =	sand.u32 $0x7000, s12;
	s12 =	simm.s32 $0x400;
	s14 =	sand.u32 $0x380, s11;
	[tilespmem:s10+$0x2C10] =	vst v1  }
.LBB2_2:
0x26: {  	p0 =	sne.s32 s12, $0x7E00;
	[tilespmem:s10+$0x2C20] =	vst v1;
	s10 =	sor.u32 s14, s13  }
0x27: {  	[tilespmem:s10+$0x2C30] =	vst v1  }
0x28: {  	[tilespmem:s10+$0x2000] =	vst v1  }
0x29: {  	[tilespmem:s10+$0x2010] =	vst v1  }
0x2a: {  	[tilespmem:s10+$0x2020] =	vst v1  }
0x2b: {  	[tilespmem:s10+$0x2030] =	vst v1  }
0x2c: {  	[tilespmem:s10+$0x2040] =	vst v1  }
0x2d: {  	[tilespmem:s10+$0x2050] =	vst v1  }
0x2e: {  	[tilespmem:s10+$0x2060] =	vst v1  }
0x2f: {  	[tilespmem:s10+$0x2070] =	vst v1  }
0x30: {  	[tilespmem:s10+$0x2400] =	vst v1  }
0x31: {  	[tilespmem:s10+$0x2410] =	vst v1  }
0x32: {  	[tilespmem:s10+$0x2420] =	vst v1  }
0x33: {  	[tilespmem:s10+$0x2430] =	vst v1  }
0x34: {  	[tilespmem:s10+$0x2440] =	vst v1  }
0x35: {  	[tilespmem:s10+$0x2450] =	vst v1  }
0x36: {  	[tilespmem:s10+$0x2460] =	vst v1  }
0x37: {  	[tilespmem:s10+$0x2470] =	vst v1  }
0x38: {  	[tilespmem:s10+$0x2800] =	vst v1  }
0x39: {  	[tilespmem:s10+$0x2810] =	vst v1  }
0x3a: {  	[tilespmem:s10+$0x2820] =	vst v1  }
0x3b: {  	[tilespmem:s10+$0x2830] =	vst v1  }
0x3c: {  	[tilespmem:s10+$0x2840] =	vst v1  }
.Ltmp0:
0x3d: {  	[tilespmem:s10+$0x2850] =	vst v1;
	(pc) =	sbr.rel @p0 .LBB2_2-.Ltmp0, $4  }
0x3e: {  	[tilespmem:s10+$0x2860] =	vst v1  }
0x3f: {  	[tilespmem:s10+$0x2870] =	vst v1  }
0x40: {  	s11 =	sadd.s32 $0x80, s11;
	[tilespmem:s10+$0x2C00] =	vst v1  }
0x41: {  	s13 =	sand.u32 $0x7000, s12;
	s12 =	sadd.s32 $0x200, s12;
	s14 =	sand.u32 $0x380, s11;
	[tilespmem:s10+$0x2C10] =	vst v1  }
0x42: {  	s11 =	sor.u32 s14, s13;
	[tilespmem:s10+$0x2C20] =	vst v1  }
0x43: {  	[tilespmem:s11+$0x2C30] =	vst v1  }
0x44: {  	[tilespmem:s11+$0x2000] =	vst v1  }
0x45: {  	[tilespmem:s11+$0x2010] =	vst v1  }
0x46: {  	[tilespmem:s11+$0x2020] =	vst v1  }
0x47: {  	[tilespmem:s11+$0x2030] =	vst v1  }
0x48: {  	[tilespmem:s11+$0x2040] =	vst v1  }
0x49: {  	[tilespmem:s11+$0x2050] =	vst v1  }
0x4a: {  	[tilespmem:s11+$0x2060] =	vst v1  }
0x4b: {  	[tilespmem:s11+$0x2070] =	vst v1  }
0x4c: {  	[tilespmem:s11+$0x2400] =	vst v1  }
0x4d: {  	[tilespmem:s11+$0x2410] =	vst v1  }
0x4e: {  	[tilespmem:s11+$0x2420] =	vst v1  }
0x4f: {  	[tilespmem:s11+$0x2430] =	vst v1  }
0x50: {  	[tilespmem:s11+$0x2440] =	vst v1  }
0x51: {  	[tilespmem:s11+$0x2450] =	vst v1  }
0x52: {  	[tilespmem:s11+$0x2460] =	vst v1  }
0x53: {  	[tilespmem:s11+$0x2470] =	vst v1  }
0x54: {  	[tilespmem:s11+$0x2800] =	vst v1  }
0x55: {  	[tilespmem:s11+$0x2810] =	vst v1  }
0x56: {  	[tilespmem:s11+$0x2820] =	vst v1  }
0x57: {  	[tilespmem:s11+$0x2830] =	vst v1  }
0x58: {  	[tilespmem:s11+$0x2840] =	vst v1  }
0x59: {  	p1 =	por $0x1, $0x1;
	[tilespmem:s11+$0x2850] =	vst v1  }
.Ltmp1:
0x5a: {  	[tilespmem:s11+$0x2860] =	vst v1;
	(pc) =	sbr.rel @!p1 .LBB2_4-.Ltmp1, $4  }
0x5b: {  	[tilespmem:s11+$0x2870] =	vst v1  }
0x5c: {  	[tilespmem:s11+$0x2C00] =	vst v1  }
0x5d: {  	s10 =	simm.s32 $0x0;
	s13 =	simm.s32 $0x200;
	[tilespmem:s11+$0x2C10] =	vst v1  }
0x5e: {  	p0 =	por $0x0, $0x0;
	s14 =	sand.u32 $0x7000, s10;
	[tilespmem:s11+$0x2C20] =	vst v1;
	s15 =	sand.u32 $0x380, s10  }
0x5f: {  	s11 =	sor.u32 s15, s14  }
0x60: {  	[tilespmem:s11+$0xAC30] =	vst v1  }
0x61: {  	[tilespmem:s11+$0xA000] =	vst v1  }
0x62: {  	[tilespmem:s11+$0xA010] =	vst v1  }
0x63: {  	[tilespmem:s11+$0xA020] =	vst v1  }
0x64: {  	[tilespmem:s11+$0xA030] =	vst v1  }
0x65: {  	[tilespmem:s11+$0xA040] =	vst v1  }
0x66: {  	[tilespmem:s11+$0xA050] =	vst v1  }
0x67: {  	[tilespmem:s11+$0xA060] =	vst v1  }
0x68: {  	[tilespmem:s11+$0xA070] =	vst v1  }
0x69: {  	[tilespmem:s11+$0xA400] =	vst v1  }
0x6a: {  	[tilespmem:s11+$0xA410] =	vst v1  }
0x6b: {  	[tilespmem:s11+$0xA420] =	vst v1  }
0x6c: {  	[tilespmem:s11+$0xA430] =	vst v1  }
0x6d: {  	[tilespmem:s11+$0xA440] =	vst v1  }
0x6e: {  	[tilespmem:s11+$0xA450] =	vst v1  }
0x6f: {  	[tilespmem:s11+$0xA460] =	vst v1  }
0x70: {  	[tilespmem:s11+$0xA470] =	vst v1  }
0x71: {  	[tilespmem:s11+$0xA800] =	vst v1  }
0x72: {  	[tilespmem:s11+$0xA810] =	vst v1  }
0x73: {  	[tilespmem:s11+$0xA820] =	vst v1  }
0x74: {  	[tilespmem:s11+$0xA830] =	vst v1  }
0x75: {  	p1 =	por $0x1, $0x1;
	[tilespmem:s11+$0xA840] =	vst v1  }
.Ltmp2:
0x76: {  	[tilespmem:s11+$0xA850] =	vst v1;
	(pc) =	sbr.rel @!p1 .LBB2_7-.Ltmp2, $4  }
0x77: {  	[tilespmem:s11+$0xA860] =	vst v1  }
0x78: {  	[tilespmem:s11+$0xA870] =	vst v1  }
0x79: {  	s12 =	simm.s32 $0x80;
	s14 =	sand.u32 $0x7000, s13;
	[tilespmem:s11+$0xAC00] =	vst v1  }
0x7a: {  	s13 =	simm.s32 $0x400;
	p0 =	por $0x1, $0x1;
	s15 =	sand.u32 $0x380, s12;
	[tilespmem:s11+$0xAC10] =	vst v1  }
.LBB2_6:
0x7b: {  	p1 =	sne.s32 s13, $0x7E00;
	[tilespmem:s11+$0xAC20] =	vst v1;
	s11 =	sor.u32 s15, s14  }
0x7c: {  	[tilespmem:s11+$0xAC30] =	vst v1  }
0x7d: {  	[tilespmem:s11+$0xA000] =	vst v1  }
0x7e: {  	[tilespmem:s11+$0xA010] =	vst v1  }
0x7f: {  	[tilespmem:s11+$0xA020] =	vst v1  }
0x80: {  	[tilespmem:s11+$0xA030] =	vst v1  }
0x81: {  	[tilespmem:s11+$0xA040] =	vst v1  }
0x82: {  	[tilespmem:s11+$0xA050] =	vst v1  }
0x83: {  	[tilespmem:s11+$0xA060] =	vst v1  }
0x84: {  	[tilespmem:s11+$0xA070] =	vst v1  }
0x85: {  	[tilespmem:s11+$0xA400] =	vst v1  }
0x86: {  	[tilespmem:s11+$0xA410] =	vst v1  }
0x87: {  	[tilespmem:s11+$0xA420] =	vst v1  }
0x88: {  	[tilespmem:s11+$0xA430] =	vst v1  }
0x89: {  	[tilespmem:s11+$0xA440] =	vst v1  }
0x8a: {  	[tilespmem:s11+$0xA450] =	vst v1  }
0x8b: {  	[tilespmem:s11+$0xA460] =	vst v1  }
0x8c: {  	[tilespmem:s11+$0xA470] =	vst v1  }
0x8d: {  	[tilespmem:s11+$0xA800] =	vst v1  }
0x8e: {  	[tilespmem:s11+$0xA810] =	vst v1  }
0x8f: {  	[tilespmem:s11+$0xA820] =	vst v1  }
0x90: {  	[tilespmem:s11+$0xA830] =	vst v1  }
0x91: {  	[tilespmem:s11+$0xA840] =	vst v1  }
.Ltmp3:
0x92: {  	[tilespmem:s11+$0xA850] =	vst v1;
	(pc) =	sbr.rel @p1 .LBB2_6-.Ltmp3, $4  }
0x93: {  	[tilespmem:s11+$0xA860] =	vst v1  }
0x94: {  	[tilespmem:s11+$0xA870] =	vst v1  }
0x95: {  	s12 =	sadd.s32 $0x80, s12;
	[tilespmem:s11+$0xAC00] =	vst v1  }
0x96: {  	s14 =	sand.u32 $0x7000, s13;
	s13 =	sadd.s32 $0x200, s13;
	s15 =	sand.u32 $0x380, s12;
	[tilespmem:s11+$0xAC10] =	vst v1  }
.LBB2_7:
0x97: {  	s12 =	sor.u32 s15, s14;
	[tilespmem:s11+$0xAC20] =	vst @p0 v1  }
0x98: {  	[tilespmem:s12+$0xAC30] =	vst v1  }
0x99: {  	[tilespmem:s12+$0xA000] =	vst v1  }
0x9a: {  	[tilespmem:s12+$0xA010] =	vst v1  }
0x9b: {  	[tilespmem:s12+$0xA020] =	vst v1  }
0x9c: {  	[tilespmem:s12+$0xA030] =	vst v1  }
0x9d: {  	[tilespmem:s12+$0xA040] =	vst v1  }
0x9e: {  	[tilespmem:s12+$0xA050] =	vst v1  }
0x9f: {  	[tilespmem:s12+$0xA060] =	vst v1  }
0xa0: {  	[tilespmem:s12+$0xA070] =	vst v1  }
0xa1: {  	[tilespmem:s12+$0xA400] =	vst v1  }
0xa2: {  	[tilespmem:s12+$0xA410] =	vst v1  }
0xa3: {  	[tilespmem:s12+$0xA420] =	vst v1  }
0xa4: {  	[tilespmem:s12+$0xA430] =	vst v1  }
0xa5: {  	[tilespmem:s12+$0xA440] =	vst v1  }
0xa6: {  	[tilespmem:s12+$0xA450] =	vst v1  }
0xa7: {  	[tilespmem:s12+$0xA460] =	vst v1  }
0xa8: {  	[tilespmem:s12+$0xA470] =	vst v1  }
0xa9: {  	[tilespmem:s12+$0xA800] =	vst v1  }
0xaa: {  	[tilespmem:s12+$0xA810] =	vst v1  }
0xab: {  	[tilespmem:s12+$0xA820] =	vst v1  }
0xac: {  	[tilespmem:s12+$0xA830] =	vst v1  }
0xad: {  	[tilespmem:s12+$0xA840] =	vst v1  }
0xae: {  	[tilespmem:s12+$0xA850] =	vst v1  }
0xaf: {  	[tilespmem:s12+$0xA860] =	vst v1  }
0xb0: {  	[tilespmem:s12+$0xA870] =	vst v1  }
0xb1: {  	[tilespmem:s12+$0xAC00] =	vst v1  }
0xb2: {  	[tilespmem:s12+$0xAC10] =	vst v1  }
0xb3: {  	[tilespmem:s12+$0xAC20] =	vst v1  }
.LBB2_8:
0xb4: {  	s11 =	sshll.u32 s10, $0x5  }
0xb5: {  	s11 =	sadd.s32 s5, s11  }
0xb6: {  	s12 =	sshll.u32 s11, $0x5  }
0xb7: {  	s13 =	sadd.s32 s1, s12;
	s12 =	simm.s32 $0x0  }
0xb8: {  	[tilespmem:s12], [sflag:$0x1] =	stream.linear.gather [hbm4b:s13+s12], $0x2000, $0x38;
	v15 =	vmov s12;
	[tilespmem:$0x12000] =	vst v63  }
0xb9: {  	_ =	swait.ge [sflag:s7], $0x2000;
	v16 =	vshll.u32 v15, $0x9;
	v15 =	vshll.u32 v15, $0x7  }
0xba: {  	s30 =	sand.u32 $0x1800, s12;
	s14 =	sand.u32 $0x380, s12;
	[sflag:s7] =	ssyncset.done $0x0;
	v17 =	vand.u32 $0x7000, v16;
	v15 =	vand.u32 $0x300, v15  }
0xbb: {  	s13 =	sor.u32 s14, s30;
	[sflag:s7] =	ssyncadd.s32 $0xFFFFE000;
	v17 =	vor.u32 v15, v17  }
0xbc: {  	v18 =	vld [tilespmem:s13+$0x0];
	v19 =	vor.u32 v0, v17;
	_ =	sdelay $0x4  }
0xbd: {  	[tilespmem:v19+s8+$0x0] =	vst.idx.msk $0xffff, v18  }
0xbe: {  	v19 =	vor.u32 v2, v17;
	v18 =	vld [tilespmem:s13+$0x10];
	_ =	sdelay $0x4  }
0xbf: {  	[tilespmem:v19+s8+$0x0] =	vst.idx.msk $0xffff, v18  }
0xc0: {  	v19 =	vor.u32 v3, v17;
	v18 =	vld [tilespmem:s13+$0x20];
	_ =	sdelay $0x4  }
0xc1: {  	[tilespmem:v19+s8+$0x0] =	vst.idx.msk $0xffff, v18  }
0xc2: {  	v19 =	vor.u32 v4, v17;
	v18 =	vld [tilespmem:s13+$0x30];
	_ =	sdelay $0x4  }
0xc3: {  	[tilespmem:v19+s8+$0x0] =	vst.idx.msk $0xffff, v18  }
0xc4: {  	v19 =	vor.u32 v5, v17;
	v18 =	vld [tilespmem:s13+$0x40];
	_ =	sdelay $0x4  }
0xc5: {  	[tilespmem:v19+s8+$0x0] =	vst.idx.msk $0xffff, v18  }
0xc6: {  	v19 =	vor.u32 v6, v17;
	v18 =	vld [tilespmem:s13+$0x50];
	_ =	sdelay $0x4  }
0xc7: {  	[tilespmem:v19+s8+$0x0] =	vst.idx.msk $0xffff, v18  }
0xc8: {  	v19 =	vor.u32 v7, v17;
	v18 =	vld [tilespmem:s13+$0x60];
	_ =	sdelay $0x4  }
0xc9: {  	[tilespmem:v19+s8+$0x0] =	vst.idx.msk $0xffff, v18  }
0xca: {  	v19 =	vor.u32 v8, v17;
	v18 =	vld [tilespmem:s13+$0x70];
	_ =	sdelay $0x4  }
0xcb: {  	[tilespmem:v19+s8+$0x0] =	vst.idx.msk $0xffff, v18  }
0xcc: {  	v19 =	vor.u32 v9, v17;
	v18 =	vld [tilespmem:s13+$0x400];
	_ =	sdelay $0x4  }
0xcd: {  	[tilespmem:v19+s8+$0x0] =	vst.idx.msk $0xffff, v18  }
0xce: {  	v19 =	vor.u32 v10, v17;
	v18 =	vld [tilespmem:s13+$0x410];
	_ =	sdelay $0x4  }
0xcf: {  	[tilespmem:v19+s8+$0x0] =	vst.idx.msk $0xffff, v18  }
0xd0: {  	v19 =	vor.u32 v11, v17;
	v18 =	vld [tilespmem:s13+$0x420];
	_ =	sdelay $0x4  }
0xd1: {  	[tilespmem:v19+s8+$0x0] =	vst.idx.msk $0xffff, v18  }
0xd2: {  	v17 =	vor.u32 v12, v17;
	v18 =	vld [tilespmem:s13+$0x430];
	_ =	sdelay $0x4  }
0xd3: {  	v16 =	vor.u32 v15, v16;
	[tilespmem:v17+s8+$0x0] =	vst.idx.msk $0xffff, v18  }
0xd4: {  	v17 =	vor.u32 v13, v16;
	v15 =	vld [tilespmem:s13+$0x440];
	_ =	sdelay $0x4  }
0xd5: {  	[tilespmem:v17+s8+$0x0] =	vst.idx.msk $0xffff, v15  }
0xd6: {  	v16 =	vor.u32 v14, v16;
	v15 =	vld [tilespmem:s13+$0x450]  }
0xd7: {  	s31 =	simm.s32 $0x2  }
0xd8: {  	s14 =	simm.s32 $0x4;
	v17 =	vmov s31;
	s13 =	simm.s32 $0x0  }
.LBB2_9:
0xd9: {  	p0 =	sne.s32 s14, $0x3E;
	v18 =	vshll.u32 v17, $0x9;
	v17 =	vshll.u32 v17, $0x7;
	s12 =	sadd.s32 $0x80, s12;
	s13 =	sadd.s32 $0x100, s13  }
0xda: {  	s15 =	sand.u32 $0x1800, s13;
	s16 =	sand.u32 $0x380, s12;
	v19 =	vand.u32 $0x7000, v18;
	v17 =	vand.u32 $0x300, v17  }
0xdb: {  	s15 =	sor.u32 s16, s15;
	v19 =	vor.u32 v17, v19;
	[tilespmem:v16+s8+$0x0] =	vst.idx.msk $0xffff, v15  }
0xdc: {  	v15 =	vld [tilespmem:s15+$0x0];
	v16 =	vor.u32 v0, v19;
	_ =	sdelay $0x4  }
0xdd: {  	[tilespmem:v16+s8+$0x0] =	vst.idx.msk $0xffff, v15  }
0xde: {  	v16 =	vor.u32 v2, v19;
	v15 =	vld [tilespmem:s15+$0x10];
	_ =	sdelay $0x4  }
0xdf: {  	[tilespmem:v16+s8+$0x0] =	vst.idx.msk $0xffff, v15  }
0xe0: {  	v16 =	vor.u32 v3, v19;
	v15 =	vld [tilespmem:s15+$0x20];
	_ =	sdelay $0x4  }
0xe1: {  	[tilespmem:v16+s8+$0x0] =	vst.idx.msk $0xffff, v15  }
0xe2: {  	v16 =	vor.u32 v4, v19;
	v15 =	vld [tilespmem:s15+$0x30];
	_ =	sdelay $0x4  }
0xe3: {  	[tilespmem:v16+s8+$0x0] =	vst.idx.msk $0xffff, v15  }
0xe4: {  	v16 =	vor.u32 v5, v19;
	v15 =	vld [tilespmem:s15+$0x40];
	_ =	sdelay $0x4  }
0xe5: {  	[tilespmem:v16+s8+$0x0] =	vst.idx.msk $0xffff, v15  }
0xe6: {  	v16 =	vor.u32 v6, v19;
	v15 =	vld [tilespmem:s15+$0x50];
	_ =	sdelay $0x4  }
0xe7: {  	[tilespmem:v16+s8+$0x0] =	vst.idx.msk $0xffff, v15  }
0xe8: {  	v16 =	vor.u32 v7, v19;
	v15 =	vld [tilespmem:s15+$0x60];
	_ =	sdelay $0x4  }
0xe9: {  	[tilespmem:v16+s8+$0x0] =	vst.idx.msk $0xffff, v15  }
0xea: {  	v16 =	vor.u32 v8, v19;
	v15 =	vld [tilespmem:s15+$0x70];
	_ =	sdelay $0x4  }
0xeb: {  	[tilespmem:v16+s8+$0x0] =	vst.idx.msk $0xffff, v15  }
0xec: {  	v16 =	vor.u32 v9, v19;
	v15 =	vld [tilespmem:s15+$0x400];
	_ =	sdelay $0x4  }
0xed: {  	[tilespmem:v16+s8+$0x0] =	vst.idx.msk $0xffff, v15  }
0xee: {  	v16 =	vor.u32 v10, v19;
	v15 =	vld [tilespmem:s15+$0x410];
	_ =	sdelay $0x4  }
0xef: {  	[tilespmem:v16+s8+$0x0] =	vst.idx.msk $0xffff, v15  }
0xf0: {  	v16 =	vor.u32 v11, v19;
	v15 =	vld [tilespmem:s15+$0x420];
	_ =	sdelay $0x4  }
0xf1: {  	[tilespmem:v16+s8+$0x0] =	vst.idx.msk $0xffff, v15  }
0xf2: {  	v16 =	vor.u32 v12, v19;
	v15 =	vld [tilespmem:s15+$0x430];
	_ =	sdelay $0x4  }
0xf3: {  	[tilespmem:v16+s8+$0x0] =	vst.idx.msk $0xffff, v15;
	v16 =	vor.u32 v17, v18  }
0xf4: {  	v15 =	vld [tilespmem:s15+$0x440];
	v17 =	vor.u32 v13, v16;
	_ =	sdelay $0x3  }
.Ltmp4:
0xf5: {  	(pc) =	sbr.rel @p0 .LBB2_9-.Ltmp4, $3  }
0xf6: {  	[tilespmem:v17+s8+$0x0] =	vst.idx.msk $0xffff, v15  }
0xf7: {  	v16 =	vor.u32 v14, v16;
	v15 =	vld [tilespmem:s15+$0x450];
	_ =	sdelay $0x1  }
0xf8: {  	v17 =	vmov s14;
	s14 =	sadd.s32 $0x2, s14  }
0xf9: {  	_ =	sdelay $0x1  }
0xfa: {  	v18 =	vshll.u32 v17, $0x9;
	v51 =	vshll.u32 v17, $0x7;
	s12 =	sadd.s32 $0x80, s12;
	s13 =	sadd.s32 $0x100, s13  }
0xfb: {  	s13 =	sand.u32 $0x1800, s13;
	s12 =	sand.u32 $0x380, s12;
	v19 =	vand.u32 $0x7000, v18;
	v17 =	vand.u32 $0x300, v51  }
0xfc: {  	s12 =	sor.u32 s12, s13;
	v19 =	vor.u32 v17, v19;
	[tilespmem:v16+s8+$0x0] =	vst.idx.msk $0xffff, v15  }
0xfd: {  	v15 =	vld [tilespmem:s12+$0x0];
	v52 =	vor.u32 v0, v19;
	_ =	sdelay $0x4  }
0xfe: {  	[tilespmem:v52+s8+$0x0] =	vst.idx.msk $0xffff, v15  }
0xff: {  	v53 =	vor.u32 v2, v19;
	v15 =	vld [tilespmem:s12+$0x10];
	_ =	sdelay $0x4  }
0x100: {  	[tilespmem:v53+s8+$0x0] =	vst.idx.msk $0xffff, v15  }
0x101: {  	v54 =	vor.u32 v3, v19;
	v15 =	vld [tilespmem:s12+$0x20];
	_ =	sdelay $0x4  }
0x102: {  	[tilespmem:v54+s8+$0x0] =	vst.idx.msk $0xffff, v15  }
0x103: {  	v55 =	vor.u32 v4, v19;
	v15 =	vld [tilespmem:s12+$0x30];
	_ =	sdelay $0x4  }
0x104: {  	[tilespmem:v55+s8+$0x0] =	vst.idx.msk $0xffff, v15  }
0x105: {  	v56 =	vor.u32 v5, v19;
	v15 =	vld [tilespmem:s12+$0x40];
	_ =	sdelay $0x4  }
0x106: {  	[tilespmem:v56+s8+$0x0] =	vst.idx.msk $0xffff, v15  }
0x107: {  	v57 =	vor.u32 v6, v19;
	v15 =	vld [tilespmem:s12+$0x50];
	_ =	sdelay $0x4  }
0x108: {  	[tilespmem:v57+s8+$0x0] =	vst.idx.msk $0xffff, v15  }
0x109: {  	v58 =	vor.u32 v7, v19;
	v15 =	vld [tilespmem:s12+$0x60];
	_ =	sdelay $0x4  }
0x10a: {  	[tilespmem:v58+s8+$0x0] =	vst.idx.msk $0xffff, v15  }
0x10b: {  	v59 =	vor.u32 v8, v19;
	v15 =	vld [tilespmem:s12+$0x70];
	_ =	sdelay $0x4  }
0x10c: {  	[tilespmem:v59+s8+$0x0] =	vst.idx.msk $0xffff, v15  }
0x10d: {  	v60 =	vor.u32 v9, v19;
	v15 =	vld [tilespmem:s12+$0x400];
	_ =	sdelay $0x4  }
0x10e: {  	[tilespmem:v60+s8+$0x0] =	vst.idx.msk $0xffff, v15  }
0x10f: {  	v61 =	vor.u32 v10, v19;
	v15 =	vld [tilespmem:s12+$0x410];
	_ =	sdelay $0x4  }
0x110: {  	[tilespmem:v61+s8+$0x0] =	vst.idx.msk $0xffff, v15  }
0x111: {  	v62 =	vor.u32 v11, v19;
	v15 =	vld [tilespmem:s12+$0x420];
	_ =	sdelay $0x4  }
0x112: {  	[tilespmem:v62+s8+$0x0] =	vst.idx.msk $0xffff, v15  }
0x113: {  	v63 =	vor.u32 v12, v19;
	v15 =	vld [tilespmem:s12+$0x430];
	_ =	sdelay $0x4  }
0x114: {  	[tilespmem:v63+s8+$0x0] =	vst.idx.msk $0xffff, v15;
	v15 =	vor.u32 v17, v18  }
0x115: {  	v16 =	vld [tilespmem:s12+$0x440];
	v17 =	vor.u32 v13, v15;
	_ =	sdelay $0x4  }
0x116: {  	[tilespmem:v17+s8+$0x0] =	vst.idx.msk $0xffff, v16  }
0x117: {  	v15 =	vor.u32 v14, v15;
	v16 =	vld [tilespmem:s12+$0x450];
	_ =	sdelay $0x2  }
0x118: {  	s10 =	sadd.s32 $0x1, s10  }
0x119: {  	s11 =	sshll.u32 s11, $0x7;
	p0 =	sne.s32 s10, $0x2A  }
.Ltmp5:
0x11a: {  	s11 =	sadd.s32 s3, s11;
	[tilespmem:v15+s8+$0x0] =	vst.idx.msk $0xffff, v16;
	(pc) =	sbr.rel @p0 .LBB2_8-.Ltmp5, $4  }
0x11b: {  	[hbm4b:s11+s4] =	stream.linear.scatter [tilespmem:s8], [sflag:$0x1], $0x8000, $0x38;
	[tilespmem:$0x12000] =	vst v63  }
0x11c: {  	_ =	swait.ge [sflag:s7], $0x8000  }
0x11d: {  	[sflag:s7] =	ssyncset.done $0x0  }
0x11e: {  	[sflag:s7] =	ssyncadd.s32 $0xFFFF8000  }
0x11f: {  	s9 =	sadd.s32 $0x1, s9  }
0x120: {  	p0 =	sne.s32 s9, s6  }
.Ltmp6:
0x121: {  	_ = 	snop;
	(pc) =	sbr.rel @p0 .LBB2_1-.Ltmp6, $4  }
.Ltmp7:
0x122: {  	_ = 	snop;
	(pc) =	sbr.rel @!p0 .LBB2_12-.Ltmp7, $4  }
0x123: {  	_ = 	snop  }
0x124: {  	_ = 	snop  }
0x125: {  	_ = 	snop  }
0x126: {  	_ = 	snop  }
.LBB2_4:
.Ltmp8:
0x127: {  	(pc) =	sbr.rel .LBB2_7-.Ltmp8, $2  }
0x128: {  	_ =	sdelay $0x2  }
0x129: {  	_ = 	snop  }
.LBB2_12:
0x12a: {  	_ =	sfence.sel $0x180000  }
0x12b: {  	[bflag:$0x0] =	sbarrier.arrive $0xFFFF  }
0x12c: {  	p0 =	sne.s32 s2, $0x0;
	_ =	strace $0x90000047  }
0x12d: {  	s0 =	sadd.s32 @!p0 $0x100000, s0;
	[bflag:$0x2] =	sbarrier.arrive $0xFFFF  }
0x12e: {  	[sflag:s0] =	ssyncadd.tile.s32 @!p0 $0x1;
	_ =	shalt  }
.Lfunc_end2:
_tile_overlayer_lowered:
.L_overlay_start_2:
0x12f: {  	(tag) =	ssettag $0x2  }
0x130: {  	s0 =	rddreg [dreg:$0x0];
	s2 =	stileid.u32  }
0x131: {  	s1 =	rddreg [dreg:$0x1];
	p0 =	sne.s32 s2, $0x0  }
0x132: {  	s3 =	rddreg [dreg:$0x2];
	[bflag:$0x3] =	sbarrier.arrive $0xFFFF;
	s2 =	simm.s32 @!p0 $0x1C01  }
0x133: {  	[timem:s3], [sflag:s2] =	dma.local @!p0 [hbm:s0], s1  }
0x134: {  	s0 =	simm.s32 @!p0 $0x1  }
0x135: {  	_ =	swait.ge @!p0 [sflag:s0], s1  }
0x136: {  	s1 =	ssub.s32 @!p0 $0x0, s1;
	[sflag:s0] =	ssyncset.done @!p0 $0x0  }
0x137: {  	[sflag:s0] =	ssyncadd.s32 @!p0 s1  }
0x138: {  	[bflag:$0x3] =	sbarrier.arrive $0xFFFF  }
0x139: {  	_ =	shalt  }

</sc_bundles>
